<compile_context>
chip_gen: v7x
topology: tpu7x:2x2x1
jax: 0.10.2.dev20260603
libtpu: 0.0.44.dev20260713+nightly
codegen_flags: <defaults>
</compile_context>

<pallas_src>
import functools

import jax
import jax.numpy as jnp
from jax import lax
from jax.experimental import pallas as pl
from jax.experimental.pallas import tpu as pltpu
from jax.experimental.pallas import tpu_sc as plsc

B, L = 16, 8192
K, D = 8192, 256
T = 1638
KCH = 2048
S5 = 8182



def _enc_vq_body(xw_ref, w1_ref, w2_ref, w3_ref, cbt_ref, cbt16_ref,
                 idx_ref, mind_ref):
    bf = jnp.bfloat16
    xw = xw_ref[0].astype(bf)
    h1 = jnp.maximum(jnp.dot(xw, w1_ref[...].astype(bf),
                             preferred_element_type=jnp.float32), 0.0)
    h2 = jnp.maximum(jnp.dot(h1.astype(bf), w2_ref[...].astype(bf),
                             preferred_element_type=jnp.float32), 0.0)
    h2b = h2.astype(bf)
    zero = jnp.zeros((1, 128), bf)
    patches = jnp.concatenate([
        jnp.concatenate([zero, h2b[:-1]], axis=0),
        h2b,
        jnp.concatenate([h2b[1:], zero], axis=0),
    ], axis=1)
    z = jnp.dot(patches, w3_ref[...].astype(bf),
                preferred_element_type=jnp.float32)
    fnorm = jnp.sum(z * z, axis=1, keepdims=True)
    zb = z.astype(bf)
    best_q = jnp.full((T,), jnp.inf, jnp.float32)
    best_e = jnp.full((T,), jnp.inf, jnp.float32)
    best_i = jnp.zeros((T,), jnp.int32)
    for c in range(K // KCH):
        cbf = cbt_ref[:, c * KCH:(c + 1) * KCH]
        cnorm = jnp.sum(cbf * cbf, axis=0, keepdims=True)
        mm = jnp.dot(zb, cbt16_ref[:, c * KCH:(c + 1) * KCH],
                     preferred_element_type=jnp.float32)
        dist = (fnorm - 2.0 * mm) + cnorm
        cmin = jnp.min(dist, axis=1)
        lanes = lax.broadcasted_iota(jnp.int32, (T, KCH), 1)
        cidx = jnp.min(jnp.where(dist == cmin[:, None], lanes, K), axis=1)
        upd = cmin < best_q
        best_i = jnp.where(upd, c * KCH + cidx, best_i)
        best_e = jnp.where(upd, cmin, best_e)
        best_q = jnp.where(upd, cmin, best_q).astype(bf).astype(jnp.float32)
    idx_ref[0, 0] = best_i
    mind_ref[0, 0] = best_e


def _enc_vq(xw, w1big, w2big, w3s, cbt, cbt16):
    return pl.pallas_call(
        _enc_vq_body,
        grid=(B,),
        in_specs=[
            pl.BlockSpec((1, T, 10), lambda b: (b, 0, 0)),
            pl.BlockSpec((10, 320), lambda b: (0, 0)),
            pl.BlockSpec((320, 128), lambda b: (0, 0)),
            pl.BlockSpec((384, 256), lambda b: (0, 0)),
            pl.BlockSpec((D, K), lambda b: (0, 0)),
            pl.BlockSpec((D, K), lambda b: (0, 0)),
        ],
        out_specs=[
            pl.BlockSpec((1, 1, T), lambda b: (b, 0, 0)),
            pl.BlockSpec((1, 1, T), lambda b: (b, 0, 0)),
        ],
        out_shape=[
            jax.ShapeDtypeStruct((B, 1, T), jnp.int32),
            jax.ShapeDtypeStruct((B, 1, T), jnp.float32),
        ],
    )(xw, w1big, w2big, w3s, cbt, cbt16)



NW_CHUNK = 208


def _sc_gather(codebook, idxp):
    info = plsc.get_sparse_core_info()
    nc, ns = info.num_cores, info.num_subcores
    nw = nc * ns
    bp = idxp.shape[0] // nw
    nsteps = bp // NW_CHUNK
    mesh = plsc.VectorSubcoreMesh(core_axis_name="c", subcore_axis_name="s")

    @functools.partial(
        pl.kernel, mesh=mesh,
        out_type=jax.ShapeDtypeStruct((idxp.shape[0], D), jnp.float32),
        scratch_types=[
            pltpu.VMEM((NW_CHUNK,), jnp.int32),
            pltpu.VMEM((NW_CHUNK, D), jnp.float32),
            pltpu.SemaphoreType.DMA,
        ],
    )
    def k(table_hbm, idx_hbm, out_hbm, idx_v, rows_v, sem):
        wid = lax.axis_index("s") * nc + lax.axis_index("c")
        base = wid * bp
        for c in range(nsteps):
            off = base + c * NW_CHUNK
            pltpu.sync_copy(idx_hbm.at[pl.ds(off, NW_CHUNK)], idx_v)
            pltpu.async_copy(table_hbm.at[idx_v], rows_v, sem).wait()
            pltpu.sync_copy(rows_v, out_hbm.at[pl.ds(off, NW_CHUNK)])

    return k(codebook, idxp)



def _dec_a_body(q_ref, d1_ref, d2_ref, out_ref):
    bf = jnp.bfloat16
    q = q_ref[0].astype(bf)
    zero = jnp.zeros((1, D), bf)
    patches = jnp.concatenate([
        jnp.concatenate([zero, q[:-1]], axis=0),
        q,
        jnp.concatenate([q[1:], zero], axis=0),
    ], axis=1)
    g = jnp.dot(patches, d1_ref[...].astype(bf),
                preferred_element_type=jnp.float32)
    g = jnp.maximum(g, 0.0).astype(bf)
    up = jnp.dot(g, d2_ref[...].astype(bf), preferred_element_type=jnp.float32)
    out_ref[0] = jnp.maximum(up, 0.0)


def _dec_a(q, d1s, d2big):
    return pl.pallas_call(
        _dec_a_body,
        grid=(B,),
        in_specs=[
            pl.BlockSpec((1, T, D), lambda b: (b, 0, 0)),
            pl.BlockSpec((768, 128), lambda b: (0, 0)),
            pl.BlockSpec((128, 320), lambda b: (0, 0)),
        ],
        out_specs=pl.BlockSpec((1, T, 320), lambda b: (b, 0, 0)),
        out_shape=jax.ShapeDtypeStruct((B, T, 320), jnp.float32),
    )(q, d1s, d2big)


def _dec_b_body(g_ref, v_ref, out_ref):
    g = g_ref[0].astype(jnp.bfloat16)
    z2 = jnp.zeros((2, 64), jnp.bfloat16)
    z1 = jnp.zeros((1, 64), jnp.bfloat16)
    gs = jnp.concatenate([
        jnp.concatenate([z2, g[:-2]], axis=0),
        jnp.concatenate([z1, g[:-1]], axis=0),
        g,
        jnp.concatenate([g[1:], z1], axis=0),
        jnp.concatenate([g[2:], z2], axis=0),
    ], axis=1)
    out_ref[0] = jnp.dot(gs, v_ref[...].astype(jnp.bfloat16),
                         preferred_element_type=jnp.float32)


def _dec_b(g, vflat):
    return pl.pallas_call(
        _dec_b_body,
        grid=(B,),
        in_specs=[
            pl.BlockSpec((1, S5, 64), lambda b: (b, 0, 0)),
            pl.BlockSpec((320, 1), lambda b: (0, 0)),
        ],
        out_specs=pl.BlockSpec((1, S5, 1), lambda b: (b, 0, 0)),
        out_shape=jax.ShapeDtypeStruct((B, S5, 1), jnp.float32),
    )(g, vflat)



def kernel(x, mean_w, std_w, w2, w3, codebook, d1, d2, d3):
    w1 = jnp.concatenate([mean_w, std_w], axis=0)[:, 0, :]
    w1big = jnp.zeros((10, 320), jnp.float32)
    for k in range(5):
        w1big = w1big.at[k:k + 5, k * 64:(k + 1) * 64].set(w1.T)
    w2big = jnp.transpose(w2, (2, 1, 0)).reshape(320, 128)
    w3s = jnp.transpose(w3, (2, 1, 0)).reshape(384, 256)
    cbt = jnp.transpose(codebook)
    cbt16 = cbt.astype(jnp.bfloat16)
    d1s = jnp.transpose(d1, (2, 1, 0)).reshape(768, 128)
    d2big = jnp.transpose(d2, (1, 2, 0))[:, ::-1, :].reshape(128, 320)
    vflat = jnp.transpose(d3[0]).reshape(320, 1)

    xp = jnp.pad(x[:, 0, :], ((0, 0), (2, 2)))
    xw = jnp.concatenate([
        xp[:, :5 * T].reshape(B, T, 5),
        xp[:, 5:5 * T + 5].reshape(B, T, 5),
    ], axis=-1)

    idx3, mind = _enc_vq(xw, w1big, w2big, w3s, cbt, cbt16)
    idx = idx3[:, 0, :]

    npad = (-(B * T)) % 256
    idxp = jnp.concatenate(
        [idx.reshape(-1), jnp.zeros((npad,), jnp.int32)])
    q = _sc_gather(codebook, idxp)[:B * T].reshape(B, T, D)

    up = _dec_a(q, d1s, d2big)
    g = up.reshape(B, 5 * T, 64)[:, 4:4 + S5, :]
    recon = _dec_b(g, vflat).reshape(B, 1, S5)

    vq_loss = 2.0 * jnp.mean(mind)
    return recon, idx, vq_loss

# --- scband reference (transcript-rebuilt; emitter-appended) ---
"""Pipeline reference for scband-nanopore-vqmodel-34866544509378 (READ-ONLY COPY).

The authoritative reference and input builder live on the scoring server;
editing this copy changes nothing except your own understanding.
"""

import jax, jax.numpy as jnp
import numpy as np

B, L = 16, 8192
K, D = 8192, 256

def conv1d(x, w, stride, pad):
    return jax.lax.conv_general_dilated(x, w, (stride,), [(pad, pad)], dimension_numbers=('NCH', 'OIH', 'NCH'))

def convT1d(x, w, stride, pad):
    return jax.lax.conv_transpose(x, w, (stride,), [(pad, pad)], dimension_numbers=('NCH', 'OIH', 'NCH'))

def setup_inputs(seed: int = 0):
    key = jax.random.key(seed)
    ks = jax.random.split(key, 9)
    x = jax.random.normal(ks[0], (B, 1, L), dtype=jnp.float32)
    mean_w = jnp.full((1, 1, 5), 0.2, dtype=jnp.float32)
    std_w = jax.random.normal(ks[1], (63, 1, 5), dtype=jnp.float32) * 0.2
    w2 = jax.random.normal(ks[2], (128, 64, 5), dtype=jnp.float32) * 0.05
    w3 = jax.random.normal(ks[3], (256, 128, 3), dtype=jnp.float32) * 0.05
    codebook = jax.random.normal(ks[4], (K, D), dtype=jnp.float32)
    d1 = jax.random.normal(ks[5], (128, 256, 3), dtype=jnp.float32) * 0.05
    d2 = jax.random.normal(ks[6], (64, 128, 5), dtype=jnp.float32) * 0.05
    d3 = jax.random.normal(ks[7], (1, 64, 5), dtype=jnp.float32) * 0.05
    return {'x': x, 'mean_w': mean_w, 'std_w': std_w, 'w2': w2, 'w3': w3, 'codebook': codebook, 'd1': d1, 'd2': d2, 'd3': d3}

def _encode(x, mean_w, std_w, w2, w3):
    # Conv1dWithMeanChannel: channel 0 is local mean, rest standard conv
    h = jnp.concatenate([conv1d(x, mean_w, 1, 2), conv1d(x, std_w, 1, 2)], axis=1)
    h = jax.nn.relu(h)
    h = jax.nn.relu(conv1d(h, w2, 5, 0))  # total stride 5
    h = conv1d(h, w3, 1, 1)
    return jnp.transpose(h, (0, 2, 1))  # [B, T, D]

def _vq(z, codebook):
    flat = z.reshape(-1, z.shape[-1])
    dist = jnp.sum(flat * flat, axis=1, keepdims=True) - 2.0 * (flat @ codebook.T) + jnp.sum(codebook * codebook, axis=1)[None, :]
    idx = jnp.argmin(dist, axis=1)
    q = jnp.take(codebook, idx, axis=0)
    commit = jnp.mean(jnp.sum((flat - jax.lax.stop_gradient(q)) ** 2, axis=1))
    cb_loss = jnp.mean(jnp.sum((q - jax.lax.stop_gradient(flat)) ** 2, axis=1))
    q_st = flat + jax.lax.stop_gradient(q - flat)  # straight-through
    return q_st.reshape(z.shape), idx.reshape(z.shape[:-1]), commit + cb_loss

def _decode(zq, d1, d2, d3):
    g = jnp.transpose(zq, (0, 2, 1))
    g = jax.nn.relu(conv1d(g, d1, 1, 1))
    g = jax.nn.relu(convT1d(g, d2, 5, 0))  # upsample x5
    return conv1d(g, d3, 1, 2)

def reference(x, mean_w, std_w, w2, w3, codebook, d1, d2, d3):
    z = _encode(x, mean_w, std_w, w2, w3)
    zq, idx, vq_loss = _vq(z, codebook)
    recon = _decode(zq, d1, d2, d3)
    return recon, idx, vq_loss

if __name__ == "__main__":
    import jax
    _d = setup_inputs()
    print(jax.jit(kernel)(*tuple(_d.values())))

</pallas_src>

<mosaic_0001>
#map = affine_map<(d0, d1) -> (0, 0)>
#map1 = affine_map<(d0, d1) -> (0)>
module attributes {stable_mosaic.version = 14 : i64} {
  func.func @k(%arg0: i32, %arg1: i32, %arg2: memref<8192x256xf32, #tpu.memory_space<hbm>>, %arg3: memref<26368xi32, #tpu.memory_space<hbm>>, %arg4: memref<26368x256xf32, #tpu.memory_space<hbm>>, %arg5: memref<208xi32, #tpu.memory_space<vmem>>, %arg6: memref<208x256xf32, #tpu.memory_space<vmem>>, %arg7: memref<!tpu.dma_semaphore, #tpu.memory_space<semaphore_mem>>) attributes {dimension_semantics = [#tpu.dimension_semantics<core_parallel>, #tpu.dimension_semantics<subcore_parallel>], iteration_bounds = array<i64: 2, 16>, scalar_prefetch = 0 : i64, scratch_operands = 3 : i64, tpu.core_type = #tpu.core_type<sc_vector_subcore>, window_params = [{transform_indices = #map}, {transform_indices = #map1}, {transform_indices = #map}]} {
    %mul3A = arith.constant 2 : i32
    %mul3A_0 = arith.muli %arg1, %mul3A : i32
    %add3A = arith.addi %mul3A_0, %arg0 : i32
    %mul3A_1 = arith.constant 824 : i32
    %mul3A_2 = arith.muli %add3A, %mul3A_1 : i32
    %add3A_3 = arith.constant 0 : i32
    %add3A_4 = arith.addi %mul3A_2, %add3A_3 : i32
    "tpu.region"() ({
      %run_scoped3A = tpu.sem_alloc : memref<!tpu.dma_semaphore, #tpu.memory_space<semaphore_mem>>
      %dma_start3A_25 = tpu.memref_slice %arg3[%add3A_4] : memref<26368xi32, #tpu.memory_space<hbm>> -> memref<208xi32, #tpu.memory_space<hbm>>
      %dma_start3A_26 = tpu.memref_slice %arg3[%add3A_4] : memref<26368xi32, #tpu.memory_space<hbm>> -> memref<208xi32, #tpu.memory_space<hbm>>
      tpu.enqueue_dma source(%dma_start3A_26 : memref<208xi32, #tpu.memory_space<hbm>>) target(%arg5 : memref<208xi32, #tpu.memory_space<vmem>>) target_semaphore(%run_scoped3A : memref<!tpu.dma_semaphore, #tpu.memory_space<semaphore_mem>>)
      %dma_wait3A_27 = tpu.memref_slice %arg3[%add3A_4] : memref<26368xi32, #tpu.memory_space<hbm>> -> memref<208xi32, #tpu.memory_space<hbm>>
      %dma_wait3A_28 = tpu.memref_slice %arg3[%add3A_4] : memref<26368xi32, #tpu.memory_space<hbm>> -> memref<208xi32, #tpu.memory_space<hbm>>
      tpu.wait_dma2 semaphore(%run_scoped3A : memref<!tpu.dma_semaphore, #tpu.memory_space<semaphore_mem>>) src(%dma_wait3A_28 : memref<208xi32, #tpu.memory_space<hbm>>) dst(%arg5 : memref<208xi32, #tpu.memory_space<vmem>>)
      tpu.yield
    }) : () -> ()
    %dma_start3A = arith.constant 0 : i32
    %dma_start3A_5 = arith.constant 0 : i32
    %dma_start3A_6 = tpu.memref_slice %arg2[%dma_start3A, %dma_start3A_5] : memref<8192x256xf32, #tpu.memory_space<hbm>> -> memref<8192x256xf32, #tpu.memory_space<hbm>>
    tpu.enqueue_indirect_dma source(%dma_start3A_6 : memref<8192x256xf32, #tpu.memory_space<hbm>>) target(%arg6 : memref<208x256xf32, #tpu.memory_space<vmem>>) offsets(%arg5 : memref<208xi32, #tpu.memory_space<vmem>>) semaphore(%arg7 : memref<!tpu.dma_semaphore, #tpu.memory_space<semaphore_mem>>)
    %dma_wait3A = arith.constant 0 : i32
    %dma_wait3A_7 = arith.constant 0 : i32
    %dma_wait3A_8 = tpu.memref_slice %arg2[%dma_wait3A, %dma_wait3A_7] : memref<8192x256xf32, #tpu.memory_space<hbm>> -> memref<8192x256xf32, #tpu.memory_space<hbm>>
    tpu.wait_indirect_dma semaphore(%arg7 : memref<!tpu.dma_semaphore, #tpu.memory_space<semaphore_mem>>) src(%dma_wait3A_8 : memref<8192x256xf32, #tpu.memory_space<hbm>>) dst(%arg6 : memref<208x256xf32, #tpu.memory_space<vmem>>)
    "tpu.region"() ({
      %run_scoped3A = tpu.sem_alloc : memref<!tpu.dma_semaphore, #tpu.memory_space<semaphore_mem>>
      %dma_start3A_25 = arith.constant 0 : i32
      %dma_start3A_26 = tpu.memref_slice %arg4[%add3A_4, %dma_start3A_25] : memref<26368x256xf32, #tpu.memory_space<hbm>> -> memref<208x256xf32, #tpu.memory_space<hbm>>
      %dma_start3A_27 = arith.constant 0 : i32
      %dma_start3A_28 = tpu.memref_slice %arg4[%add3A_4, %dma_start3A_27] : memref<26368x256xf32, #tpu.memory_space<hbm>> -> memref<208x256xf32, #tpu.memory_space<hbm>>
      tpu.enqueue_dma source(%arg6 : memref<208x256xf32, #tpu.memory_space<vmem>>) target(%dma_start3A_28 : memref<208x256xf32, #tpu.memory_space<hbm>>) target_semaphore(%run_scoped3A : memref<!tpu.dma_semaphore, #tpu.memory_space<semaphore_mem>>)
      %dma_wait3A_29 = arith.constant 0 : i32
      %dma_wait3A_30 = tpu.memref_slice %arg4[%add3A_4, %dma_wait3A_29] : memref<26368x256xf32, #tpu.memory_space<hbm>> -> memref<208x256xf32, #tpu.memory_space<hbm>>
      %dma_wait3A_31 = arith.constant 0 : i32
      %dma_wait3A_32 = tpu.memref_slice %arg4[%add3A_4, %dma_wait3A_31] : memref<26368x256xf32, #tpu.memory_space<hbm>> -> memref<208x256xf32, #tpu.memory_space<hbm>>
      tpu.wait_dma2 semaphore(%run_scoped3A : memref<!tpu.dma_semaphore, #tpu.memory_space<semaphore_mem>>) src(%arg6 : memref<208x256xf32, #tpu.memory_space<vmem>>) dst(%dma_wait3A_32 : memref<208x256xf32, #tpu.memory_space<hbm>>)
      tpu.yield
    }) : () -> ()
    %add3A_9 = arith.constant 208 : i32
    %add3A_10 = arith.addi %mul3A_2, %add3A_9 : i32
    "tpu.region"() ({
      %run_scoped3A = tpu.sem_alloc : memref<!tpu.dma_semaphore, #tpu.memory_space<semaphore_mem>>
      %dma_start3A_25 = tpu.memref_slice %arg3[%add3A_10] : memref<26368xi32, #tpu.memory_space<hbm>> -> memref<208xi32, #tpu.memory_space<hbm>>
      %dma_start3A_26 = tpu.memref_slice %arg3[%add3A_10] : memref<26368xi32, #tpu.memory_space<hbm>> -> memref<208xi32, #tpu.memory_space<hbm>>
      tpu.enqueue_dma source(%dma_start3A_26 : memref<208xi32, #tpu.memory_space<hbm>>) target(%arg5 : memref<208xi32, #tpu.memory_space<vmem>>) target_semaphore(%run_scoped3A : memref<!tpu.dma_semaphore, #tpu.memory_space<semaphore_mem>>)
      %dma_wait3A_27 = tpu.memref_slice %arg3[%add3A_10] : memref<26368xi32, #tpu.memory_space<hbm>> -> memref<208xi32, #tpu.memory_space<hbm>>
      %dma_wait3A_28 = tpu.memref_slice %arg3[%add3A_10] : memref<26368xi32, #tpu.memory_space<hbm>> -> memref<208xi32, #tpu.memory_space<hbm>>
      tpu.wait_dma2 semaphore(%run_scoped3A : memref<!tpu.dma_semaphore, #tpu.memory_space<semaphore_mem>>) src(%dma_wait3A_28 : memref<208xi32, #tpu.memory_space<hbm>>) dst(%arg5 : memref<208xi32, #tpu.memory_space<vmem>>)
      tpu.yield
    }) : () -> ()
    %dma_start3A_11 = arith.constant 0 : i32
    %dma_start3A_12 = arith.constant 0 : i32
    %dma_start3A_13 = tpu.memref_slice %arg2[%dma_start3A_11, %dma_start3A_12] : memref<8192x256xf32, #tpu.memory_space<hbm>> -> memref<8192x256xf32, #tpu.memory_space<hbm>>
    tpu.enqueue_indirect_dma source(%dma_start3A_13 : memref<8192x256xf32, #tpu.memory_space<hbm>>) target(%arg6 : memref<208x256xf32, #tpu.memory_space<vmem>>) offsets(%arg5 : memref<208xi32, #tpu.memory_space<vmem>>) semaphore(%arg7 : memref<!tpu.dma_semaphore, #tpu.memory_space<semaphore_mem>>)
    %dma_wait3A_14 = arith.constant 0 : i32
    %dma_wait3A_15 = arith.constant 0 : i32
    %dma_wait3A_16 = tpu.memref_slice %arg2[%dma_wait3A_14, %dma_wait3A_15] : memref<8192x256xf32, #tpu.memory_space<hbm>> -> memref<8192x256xf32, #tpu.memory_space<hbm>>
    tpu.wait_indirect_dma semaphore(%arg7 : memref<!tpu.dma_semaphore, #tpu.memory_space<semaphore_mem>>) src(%dma_wait3A_16 : memref<8192x256xf32, #tpu.memory_space<hbm>>) dst(%arg6 : memref<208x256xf32, #tpu.memory_space<vmem>>)
    "tpu.region"() ({
      %run_scoped3A = tpu.sem_alloc : memref<!tpu.dma_semaphore, #tpu.memory_space<semaphore_mem>>
      %dma_start3A_25 = arith.constant 0 : i32
      %dma_start3A_26 = tpu.memref_slice %arg4[%add3A_10, %dma_start3A_25] : memref<26368x256xf32, #tpu.memory_space<hbm>> -> memref<208x256xf32, #tpu.memory_space<hbm>>
      %dma_start3A_27 = arith.constant 0 : i32
      %dma_start3A_28 = tpu.memref_slice %arg4[%add3A_10, %dma_start3A_27] : memref<26368x256xf32, #tpu.memory_space<hbm>> -> memref<208x256xf32, #tpu.memory_space<hbm>>
      tpu.enqueue_dma source(%arg6 : memref<208x256xf32, #tpu.memory_space<vmem>>) target(%dma_start3A_28 : memref<208x256xf32, #tpu.memory_space<hbm>>) target_semaphore(%run_scoped3A : memref<!tpu.dma_semaphore, #tpu.memory_space<semaphore_mem>>)
      %dma_wait3A_29 = arith.constant 0 : i32
      %dma_wait3A_30 = tpu.memref_slice %arg4[%add3A_10, %dma_wait3A_29] : memref<26368x256xf32, #tpu.memory_space<hbm>> -> memref<208x256xf32, #tpu.memory_space<hbm>>
      %dma_wait3A_31 = arith.constant 0 : i32
      %dma_wait3A_32 = tpu.memref_slice %arg4[%add3A_10, %dma_wait3A_31] : memref<26368x256xf32, #tpu.memory_space<hbm>> -> memref<208x256xf32, #tpu.memory_space<hbm>>
      tpu.wait_dma2 semaphore(%run_scoped3A : memref<!tpu.dma_semaphore, #tpu.memory_space<semaphore_mem>>) src(%arg6 : memref<208x256xf32, #tpu.memory_space<vmem>>) dst(%dma_wait3A_32 : memref<208x256xf32, #tpu.memory_space<hbm>>)
      tpu.yield
    }) : () -> ()
    %add3A_17 = arith.constant 416 : i32
    %add3A_18 = arith.addi %mul3A_2, %add3A_17 : i32
    "tpu.region"() ({
      %run_scoped3A = tpu.sem_alloc : memref<!tpu.dma_semaphore, #tpu.memory_space<semaphore_mem>>
      %dma_start3A_25 = tpu.memref_slice %arg3[%add3A_18] : memref<26368xi32, #tpu.memory_space<hbm>> -> memref<208xi32, #tpu.memory_space<hbm>>
      %dma_start3A_26 = tpu.memref_slice %arg3[%add3A_18] : memref<26368xi32, #tpu.memory_space<hbm>> -> memref<208xi32, #tpu.memory_space<hbm>>
      tpu.enqueue_dma source(%dma_start3A_26 : memref<208xi32, #tpu.memory_space<hbm>>) target(%arg5 : memref<208xi32, #tpu.memory_space<vmem>>) target_semaphore(%run_scoped3A : memref<!tpu.dma_semaphore, #tpu.memory_space<semaphore_mem>>)
      %dma_wait3A_27 = tpu.memref_slice %arg3[%add3A_18] : memref<26368xi32, #tpu.memory_space<hbm>> -> memref<208xi32, #tpu.memory_space<hbm>>
      %dma_wait3A_28 = tpu.memref_slice %arg3[%add3A_18] : memref<26368xi32, #tpu.memory_space<hbm>> -> memref<208xi32, #tpu.memory_space<hbm>>
      tpu.wait_dma2 semaphore(%run_scoped3A : memref<!tpu.dma_semaphore, #tpu.memory_space<semaphore_mem>>) src(%dma_wait3A_28 : memref<208xi32, #tpu.memory_space<hbm>>) dst(%arg5 : memref<208xi32, #tpu.memory_space<vmem>>)
      tpu.yield
    }) : () -> ()
    %dma_start3A_19 = arith.constant 0 : i32
    %dma_start3A_20 = arith.constant 0 : i32
    %dma_start3A_21 = tpu.memref_slice %arg2[%dma_start3A_19, %dma_start3A_20] : memref<8192x256xf32, #tpu.memory_space<hbm>> -> memref<8192x256xf32, #tpu.memory_space<hbm>>
    tpu.enqueue_indirect_dma source(%dma_start3A_21 : memref<8192x256xf32, #tpu.memory_space<hbm>>) target(%arg6 : memref<208x256xf32, #tpu.memory_space<vmem>>) offsets(%arg5 : memref<208xi32, #tpu.memory_space<vmem>>) semaphore(%arg7 : memref<!tpu.dma_semaphore, #tpu.memory_space<semaphore_mem>>)
    %dma_wait3A_22 = arith.constant 0 : i32
    %dma_wait3A_23 = arith.constant 0 : i32
    %dma_wait3A_24 = tpu.memref_slice %arg2[%dma_wait3A_22, %dma_wait3A_23] : memref<8192x256xf32, #tpu.memory_space<hbm>> -> memref<8192x256xf32, #tpu.memory_space<hbm>>
    tpu.wait_indirect_dma semaphore(%arg7 : memref<!tpu.dma_semaphore, #tpu.memory_space<semaphore_mem>>) src(%dma_wait3A_24 : memref<8192x256xf32, #tpu.memory_space<hbm>>) dst(%arg6 : memref<208x256xf32, #tpu.memory_space<vmem>>)
    "tpu.region"() ({
      %run_scoped3A = tpu.sem_alloc : memref<!tpu.dma_semaphore, #tpu.memory_space<semaphore_mem>>
      %dma_start3A_25 = arith.constant 0 : i32
      %dma_start3A_26 = tpu.memref_slice %arg4[%add3A_18, %dma_start3A_25] : memref<26368x256xf32, #tpu.memory_space<hbm>> -> memref<208x256xf32, #tpu.memory_space<hbm>>
      %dma_start3A_27 = arith.constant 0 : i32
      %dma_start3A_28 = tpu.memref_slice %arg4[%add3A_18, %dma_start3A_27] : memref<26368x256xf32, #tpu.memory_space<hbm>> -> memref<208x256xf32, #tpu.memory_space<hbm>>
      tpu.enqueue_dma source(%arg6 : memref<208x256xf32, #tpu.memory_space<vmem>>) target(%dma_start3A_28 : memref<208x256xf32, #tpu.memory_space<hbm>>) target_semaphore(%run_scoped3A : memref<!tpu.dma_semaphore, #tpu.memory_space<semaphore_mem>>)
      %dma_wait3A_29 = arith.constant 0 : i32
      %dma_wait3A_30 = tpu.memref_slice %arg4[%add3A_18, %dma_wait3A_29] : memref<26368x256xf32, #tpu.memory_space<hbm>> -> memref<208x256xf32, #tpu.memory_space<hbm>>
      %dma_wait3A_31 = arith.constant 0 : i32
      %dma_wait3A_32 = tpu.memref_slice %arg4[%add3A_18, %dma_wait3A_31] : memref<26368x256xf32, #tpu.memory_space<hbm>> -> memref<208x256xf32, #tpu.memory_space<hbm>>
      tpu.wait_dma2 semaphore(%run_scoped3A : memref<!tpu.dma_semaphore, #tpu.memory_space<semaphore_mem>>) src(%arg6 : memref<208x256xf32, #tpu.memory_space<vmem>>) dst(%dma_wait3A_32 : memref<208x256xf32, #tpu.memory_space<hbm>>)
      tpu.yield
    }) : () -> ()
    return
  }
}

module attributes {stable_mosaic.version = 14 : i64} {
  func.func @_enc_vq_body(%arg0: i32, %arg1: memref<1x1638x10xf32, #tpu.memory_space<vmem>>, %arg2: memref<10x320xf32, #tpu.memory_space<vmem>>, %arg3: memref<320x128xf32, #tpu.memory_space<vmem>>, %arg4: memref<384x256xf32, #tpu.memory_space<vmem>>, %arg5: memref<256x8192xf32, #tpu.memory_space<vmem>>, %arg6: memref<256x8192xbf16, #tpu.memory_space<vmem>>, %arg7: memref<1x1x1638xi32, #tpu.memory_space<vmem>>, %arg8: memref<1x1x1638xf32, #tpu.memory_space<vmem>>) attributes {dimension_semantics = [#tpu.dimension_semantics<arbitrary>], iteration_bounds = array<i64: 16>, scalar_prefetch = 0 : i64, scratch_operands = 0 : i64, tpu.core_type = #tpu.core_type<tc>, window_params = [{transform_indices = @transform_0, window_bounds = array<i64: 1, 1638, 10>}, {pipeline_mode = #tpu.pipeline_mode<synchronous>, transform_indices = @transform_1, window_bounds = array<i64: 10, 320>}, {pipeline_mode = #tpu.pipeline_mode<synchronous>, transform_indices = @transform_2, window_bounds = array<i64: 320, 128>}, {pipeline_mode = #tpu.pipeline_mode<synchronous>, transform_indices = @transform_3, window_bounds = array<i64: 384, 256>}, {pipeline_mode = #tpu.pipeline_mode<synchronous>, transform_indices = @transform_4, window_bounds = array<i64: 256, 8192>}, {pipeline_mode = #tpu.pipeline_mode<synchronous>, transform_indices = @transform_5, window_bounds = array<i64: 256, 8192>}, {transform_indices = @transform_6, window_bounds = array<i64: 1, 1, 1638>}, {transform_indices = @transform_7, window_bounds = array<i64: 1, 1, 1638>}]} {
    %get3A = arith.constant 0 : index
    %get3A_0 = arith.constant 0 : index
    %get3A_1 = arith.constant 0 : index
    %get3A_2 = vector.load %arg1[%get3A, %get3A_0, %get3A_1] : memref<1x1638x10xf32, #tpu.memory_space<vmem>>, vector<1x1638x10xf32>
    %get3A_3 = vector.shape_cast %get3A_2 : vector<1x1638x10xf32> to vector<1638x10xf32>
    %convert_element_type3A = arith.truncf %get3A_3 : vector<1638x10xf32> to vector<1638x10xbf16>
    %get3A_4 = arith.constant 0 : index
    %get3A_5 = arith.constant 0 : index
    %get3A_6 = vector.load %arg2[%get3A_4, %get3A_5] : memref<10x320xf32, #tpu.memory_space<vmem>>, vector<10x320xf32>
    %convert_element_type3A_7 = arith.truncf %get3A_6 : vector<10x320xf32> to vector<10x320xbf16>
    %dot_general3A = arith.constant dense<0.000000e+00> : vector<1638x320xf32>
    %dot_general3A_8 = tpu.matmul %convert_element_type3A, %convert_element_type3A_7, %dot_general3A {dimension_numbers = #tpu.dot_dimension_numbers<[1], [0], [0], [1], [0, 0, 1, 1], [], []>, transpose_lhs_hint = false} : vector<1638x10xbf16>, vector<10x320xbf16>, vector<1638x320xf32> -> vector<1638x320xf32>
    %max3A = arith.constant 0.000000e+00 : f32
    %max3A_9 = vector.broadcast %max3A : f32 to vector<1638x320xf32>
    %max3A_10 = arith.maximumf %dot_general3A_8, %max3A_9 : vector<1638x320xf32>
    %convert_element_type3A_11 = arith.truncf %max3A_10 : vector<1638x320xf32> to vector<1638x320xbf16>
    %get3A_12 = arith.constant 0 : index
    %get3A_13 = arith.constant 0 : index
    %get3A_14 = vector.load %arg3[%get3A_12, %get3A_13] : memref<320x128xf32, #tpu.memory_space<vmem>>, vector<320x128xf32>
    %convert_element_type3A_15 = arith.truncf %get3A_14 : vector<320x128xf32> to vector<320x128xbf16>
    %dot_general3A_16 = arith.constant dense<0.000000e+00> : vector<1638x128xf32>
    %dot_general3A_17 = tpu.matmul %convert_element_type3A_11, %convert_element_type3A_15, %dot_general3A_16 {dimension_numbers = #tpu.dot_dimension_numbers<[1], [0], [0], [1], [0, 0, 1, 1], [], []>, transpose_lhs_hint = false} : vector<1638x320xbf16>, vector<320x128xbf16>, vector<1638x128xf32> -> vector<1638x128xf32>
    %max3A_18 = arith.constant 0.000000e+00 : f32
    %max3A_19 = vector.broadcast %max3A_18 : f32 to vector<1638x128xf32>
    %max3A_20 = arith.maximumf %dot_general3A_17, %max3A_19 : vector<1638x128xf32>
    %convert_element_type3A_21 = arith.truncf %max3A_20 : vector<1638x128xf32> to vector<1638x128xbf16>
    %broadcast_in_dim3A = arith.constant 0.000000e+00 : bf16
    %broadcast_in_dim3A_22 = vector.broadcast %broadcast_in_dim3A : bf16 to vector<1x128xbf16>
    %slice3A = vector.extract_strided_slice %convert_element_type3A_21 {offsets = [0, 0], sizes = [1637, 128], strides = [1, 1]} : vector<1638x128xbf16> to vector<1637x128xbf16>
    %concatenate3A = tpu.concatenate %broadcast_in_dim3A_22, %slice3A in 0 : vector<1x128xbf16>, vector<1637x128xbf16> -> vector<1638x128xbf16>
    %slice3A_23 = vector.extract_strided_slice %convert_element_type3A_21 {offsets = [1, 0], sizes = [1637, 128], strides = [1, 1]} : vector<1638x128xbf16> to vector<1637x128xbf16>
    %concatenate3A_24 = tpu.concatenate %slice3A_23, %broadcast_in_dim3A_22 in 0 : vector<1637x128xbf16>, vector<1x128xbf16> -> vector<1638x128xbf16>
    %concatenate3A_25 = tpu.concatenate %concatenate3A, %convert_element_type3A_21, %concatenate3A_24 in 1 : vector<1638x128xbf16>, vector<1638x128xbf16>, vector<1638x128xbf16> -> vector<1638x384xbf16>
    %get3A_26 = arith.constant 0 : index
    %get3A_27 = arith.constant 0 : index
    %get3A_28 = vector.load %arg4[%get3A_26, %get3A_27] : memref<384x256xf32, #tpu.memory_space<vmem>>, vector<384x256xf32>
    %convert_element_type3A_29 = arith.truncf %get3A_28 : vector<384x256xf32> to vector<384x256xbf16>
    %dot_general3A_30 = arith.constant dense<0.000000e+00> : vector<1638x256xf32>
    %dot_general3A_31 = tpu.matmul %concatenate3A_25, %convert_element_type3A_29, %dot_general3A_30 {dimension_numbers = #tpu.dot_dimension_numbers<[1], [0], [0], [1], [0, 0, 1, 1], [], []>, transpose_lhs_hint = false} : vector<1638x384xbf16>, vector<384x256xbf16>, vector<1638x256xf32> -> vector<1638x256xf32>
    %mul3A = arith.mulf %dot_general3A_31, %dot_general3A_31 : vector<1638x256xf32>
    %reduce_sum3A = arith.constant dense<0.000000e+00> : vector<1638xf32>
    %reduce_sum3A_32 = vector.multi_reduction <add>, %mul3A, %reduce_sum3A [1] : vector<1638x256xf32> to vector<1638xf32>
    %broadcast_in_dim3A_33 = vector.shape_cast %reduce_sum3A_32 : vector<1638xf32> to vector<1638x1xf32>
    %convert_element_type3A_34 = arith.truncf %dot_general3A_31 : vector<1638x256xf32> to vector<1638x256xbf16>
    %broadcast_in_dim3A_35 = arith.constant 0x7F800000 : f32
    %broadcast_in_dim3A_36 = vector.broadcast %broadcast_in_dim3A_35 : f32 to vector<1638xf32>
    %broadcast_in_dim3A_37 = arith.constant 0x7F800000 : f32
    %broadcast_in_dim3A_38 = vector.broadcast %broadcast_in_dim3A_37 : f32 to vector<1638xf32>
    %broadcast_in_dim3A_39 = arith.constant 0 : i32
    %broadcast_in_dim3A_40 = vector.broadcast %broadcast_in_dim3A_39 : i32 to vector<1638xi32>
    %get3A_41 = arith.constant 0 : index
    %get3A_42 = arith.constant 0 : index
    %get3A_43 = vector.load %arg5[%get3A_41, %get3A_42] : memref<256x8192xf32, #tpu.memory_space<vmem>>, vector<256x2048xf32>
    %mul3A_44 = arith.mulf %get3A_43, %get3A_43 : vector<256x2048xf32>
    %reduce_sum3A_45 = arith.constant dense<0.000000e+00> : vector<2048xf32>
    %reduce_sum3A_46 = vector.multi_reduction <add>, %mul3A_44, %reduce_sum3A_45 [0] : vector<256x2048xf32> to vector<2048xf32>
    %broadcast_in_dim3A_47 = vector.shape_cast %reduce_sum3A_46 : vector<2048xf32> to vector<1x2048xf32>
    %get3A_48 = arith.constant 0 : index
    %get3A_49 = arith.constant 0 : index
    %get3A_50 = vector.load %arg6[%get3A_48, %get3A_49] : memref<256x8192xbf16, #tpu.memory_space<vmem>>, vector<256x2048xbf16>
    %dot_general3A_51 = arith.constant dense<0.000000e+00> : vector<1638x2048xf32>
    %dot_general3A_52 = tpu.matmul %convert_element_type3A_34, %get3A_50, %dot_general3A_51 {dimension_numbers = #tpu.dot_dimension_numbers<[1], [0], [0], [1], [0, 0, 1, 1], [], []>, transpose_lhs_hint = false} : vector<1638x256xbf16>, vector<256x2048xbf16>, vector<1638x2048xf32> -> vector<1638x2048xf32>
    %mul3A_53 = arith.constant 2.000000e+00 : f32
    %mul3A_54 = vector.broadcast %mul3A_53 : f32 to vector<1638x2048xf32>
    %mul3A_55 = arith.mulf %mul3A_54, %dot_general3A_52 : vector<1638x2048xf32>
    %sub3A = vector.broadcast %broadcast_in_dim3A_33 : vector<1638x1xf32> to vector<1638x2048xf32>
    %sub3A_56 = arith.subf %sub3A, %mul3A_55 : vector<1638x2048xf32>
    %add3A = vector.broadcast %broadcast_in_dim3A_47 : vector<1x2048xf32> to vector<1638x2048xf32>
    %add3A_57 = arith.addf %sub3A_56, %add3A : vector<1638x2048xf32>
    %reduce_min3A = arith.constant dense<0x7F800000> : vector<1638xf32>
    %reduce_min3A_58 = vector.multi_reduction <minimumf>, %add3A_57, %reduce_min3A [1] : vector<1638x2048xf32> to vector<1638xf32>
    %iota3A = tpu.iota {dimensions = array<i32: 1>} : vector<1638x2048xi32>
    %broadcast_in_dim3A_59 = vector.shape_cast %reduce_min3A_58 : vector<1638xf32> to vector<1638x1xf32>
    %eq3A = vector.broadcast %broadcast_in_dim3A_59 : vector<1638x1xf32> to vector<1638x2048xf32>
    %eq3A_60 = arith.cmpf oeq, %add3A_57, %eq3A : vector<1638x2048xf32>
    %jit3A = arith.constant 8192 : i32
    %broadcast_in_dim3A_61 = vector.broadcast %jit3A : i32 to vector<1638x2048xi32>
    %select_n3A = arith.select %eq3A_60, %iota3A, %broadcast_in_dim3A_61 : vector<1638x2048xi1>, vector<1638x2048xi32>
    %reduce_min3A_62 = arith.constant dense<2147483647> : vector<1638xi32>
    %reduce_min3A_63 = vector.multi_reduction <minsi>, %select_n3A, %reduce_min3A_62 [1] : vector<1638x2048xi32> to vector<1638xi32>
    %lt3A = arith.cmpf olt, %reduce_min3A_58, %broadcast_in_dim3A_36 : vector<1638xf32>
    %add3A_64 = arith.constant 0 : i32
    %add3A_65 = vector.broadcast %add3A_64 : i32 to vector<1638xi32>
    %add3A_66 = arith.addi %add3A_65, %reduce_min3A_63 : vector<1638xi32>
    %select_n3A_67 = arith.select %lt3A, %add3A_66, %broadcast_in_dim3A_40 : vector<1638xi1>, vector<1638xi32>
    %select_n3A_68 = arith.select %lt3A, %reduce_min3A_58, %broadcast_in_dim3A_38 : vector<1638xi1>, vector<1638xf32>
    %select_n3A_69 = arith.select %lt3A, %reduce_min3A_58, %broadcast_in_dim3A_36 : vector<1638xi1>, vector<1638xf32>
    %convert_element_type3A_70 = arith.truncf %select_n3A_69 : vector<1638xf32> to vector<1638xbf16>
    %convert_element_type3A_71 = arith.extf %convert_element_type3A_70 : vector<1638xbf16> to vector<1638xf32>
    %get3A_72 = arith.constant 0 : index
    %get3A_73 = arith.constant 2048 : index
    %get3A_74 = vector.load %arg5[%get3A_72, %get3A_73] : memref<256x8192xf32, #tpu.memory_space<vmem>>, vector<256x2048xf32>
    %mul3A_75 = arith.mulf %get3A_74, %get3A_74 : vector<256x2048xf32>
    %reduce_sum3A_76 = arith.constant dense<0.000000e+00> : vector<2048xf32>
    %reduce_sum3A_77 = vector.multi_reduction <add>, %mul3A_75, %reduce_sum3A_76 [0] : vector<256x2048xf32> to vector<2048xf32>
    %broadcast_in_dim3A_78 = vector.shape_cast %reduce_sum3A_77 : vector<2048xf32> to vector<1x2048xf32>
    %get3A_79 = arith.constant 0 : index
    %get3A_80 = arith.constant 2048 : index
    %get3A_81 = vector.load %arg6[%get3A_79, %get3A_80] : memref<256x8192xbf16, #tpu.memory_space<vmem>>, vector<256x2048xbf16>
    %dot_general3A_82 = arith.constant dense<0.000000e+00> : vector<1638x2048xf32>
    %dot_general3A_83 = tpu.matmul %convert_element_type3A_34, %get3A_81, %dot_general3A_82 {dimension_numbers = #tpu.dot_dimension_numbers<[1], [0], [0], [1], [0, 0, 1, 1], [], []>, transpose_lhs_hint = false} : vector<1638x256xbf16>, vector<256x2048xbf16>, vector<1638x2048xf32> -> vector<1638x2048xf32>
    %mul3A_84 = arith.constant 2.000000e+00 : f32
    %mul3A_85 = vector.broadcast %mul3A_84 : f32 to vector<1638x2048xf32>
    %mul3A_86 = arith.mulf %mul3A_85, %dot_general3A_83 : vector<1638x2048xf32>
    %sub3A_87 = vector.broadcast %broadcast_in_dim3A_33 : vector<1638x1xf32> to vector<1638x2048xf32>
    %sub3A_88 = arith.subf %sub3A_87, %mul3A_86 : vector<1638x2048xf32>
    %add3A_89 = vector.broadcast %broadcast_in_dim3A_78 : vector<1x2048xf32> to vector<1638x2048xf32>
    %add3A_90 = arith.addf %sub3A_88, %add3A_89 : vector<1638x2048xf32>
    %reduce_min3A_91 = arith.constant dense<0x7F800000> : vector<1638xf32>
    %reduce_min3A_92 = vector.multi_reduction <minimumf>, %add3A_90, %reduce_min3A_91 [1] : vector<1638x2048xf32> to vector<1638xf32>
    %iota3A_93 = tpu.iota {dimensions = array<i32: 1>} : vector<1638x2048xi32>
    %broadcast_in_dim3A_94 = vector.shape_cast %reduce_min3A_92 : vector<1638xf32> to vector<1638x1xf32>
    %eq3A_95 = vector.broadcast %broadcast_in_dim3A_94 : vector<1638x1xf32> to vector<1638x2048xf32>
    %eq3A_96 = arith.cmpf oeq, %add3A_90, %eq3A_95 : vector<1638x2048xf32>
    %jit3A_97 = arith.constant 8192 : i32
    %broadcast_in_dim3A_98 = vector.broadcast %jit3A_97 : i32 to vector<1638x2048xi32>
    %select_n3A_99 = arith.select %eq3A_96, %iota3A_93, %broadcast_in_dim3A_98 : vector<1638x2048xi1>, vector<1638x2048xi32>
    %reduce_min3A_100 = arith.constant dense<2147483647> : vector<1638xi32>
    %reduce_min3A_101 = vector.multi_reduction <minsi>, %select_n3A_99, %reduce_min3A_100 [1] : vector<1638x2048xi32> to vector<1638xi32>
    %lt3A_102 = arith.cmpf olt, %reduce_min3A_92, %convert_element_type3A_71 : vector<1638xf32>
    %add3A_103 = arith.constant 2048 : i32
    %add3A_104 = vector.broadcast %add3A_103 : i32 to vector<1638xi32>
    %add3A_105 = arith.addi %add3A_104, %reduce_min3A_101 : vector<1638xi32>
    %select_n3A_106 = arith.select %lt3A_102, %add3A_105, %select_n3A_67 : vector<1638xi1>, vector<1638xi32>
    %select_n3A_107 = arith.select %lt3A_102, %reduce_min3A_92, %select_n3A_68 : vector<1638xi1>, vector<1638xf32>
    %select_n3A_108 = arith.select %lt3A_102, %reduce_min3A_92, %convert_element_type3A_71 : vector<1638xi1>, vector<1638xf32>
    %convert_element_type3A_109 = arith.truncf %select_n3A_108 : vector<1638xf32> to vector<1638xbf16>
    %convert_element_type3A_110 = arith.extf %convert_element_type3A_109 : vector<1638xbf16> to vector<1638xf32>
    %get3A_111 = arith.constant 0 : index
    %get3A_112 = arith.constant 4096 : index
    %get3A_113 = vector.load %arg5[%get3A_111, %get3A_112] : memref<256x8192xf32, #tpu.memory_space<vmem>>, vector<256x2048xf32>
    %mul3A_114 = arith.mulf %get3A_113, %get3A_113 : vector<256x2048xf32>
    %reduce_sum3A_115 = arith.constant dense<0.000000e+00> : vector<2048xf32>
    %reduce_sum3A_116 = vector.multi_reduction <add>, %mul3A_114, %reduce_sum3A_115 [0] : vector<256x2048xf32> to vector<2048xf32>
    %broadcast_in_dim3A_117 = vector.shape_cast %reduce_sum3A_116 : vector<2048xf32> to vector<1x2048xf32>
    %get3A_118 = arith.constant 0 : index
    %get3A_119 = arith.constant 4096 : index
    %get3A_120 = vector.load %arg6[%get3A_118, %get3A_119] : memref<256x8192xbf16, #tpu.memory_space<vmem>>, vector<256x2048xbf16>
    %dot_general3A_121 = arith.constant dense<0.000000e+00> : vector<1638x2048xf32>
    %dot_general3A_122 = tpu.matmul %convert_element_type3A_34, %get3A_120, %dot_general3A_121 {dimension_numbers = #tpu.dot_dimension_numbers<[1], [0], [0], [1], [0, 0, 1, 1], [], []>, transpose_lhs_hint = false} : vector<1638x256xbf16>, vector<256x2048xbf16>, vector<1638x2048xf32> -> vector<1638x2048xf32>
    %mul3A_123 = arith.constant 2.000000e+00 : f32
    %mul3A_124 = vector.broadcast %mul3A_123 : f32 to vector<1638x2048xf32>
    %mul3A_125 = arith.mulf %mul3A_124, %dot_general3A_122 : vector<1638x2048xf32>
    %sub3A_126 = vector.broadcast %broadcast_in_dim3A_33 : vector<1638x1xf32> to vector<1638x2048xf32>
    %sub3A_127 = arith.subf %sub3A_126, %mul3A_125 : vector<1638x2048xf32>
    %add3A_128 = vector.broadcast %broadcast_in_dim3A_117 : vector<1x2048xf32> to vector<1638x2048xf32>
    %add3A_129 = arith.addf %sub3A_127, %add3A_128 : vector<1638x2048xf32>
    %reduce_min3A_130 = arith.constant dense<0x7F800000> : vector<1638xf32>
    %reduce_min3A_131 = vector.multi_reduction <minimumf>, %add3A_129, %reduce_min3A_130 [1] : vector<1638x2048xf32> to vector<1638xf32>
    %iota3A_132 = tpu.iota {dimensions = array<i32: 1>} : vector<1638x2048xi32>
    %broadcast_in_dim3A_133 = vector.shape_cast %reduce_min3A_131 : vector<1638xf32> to vector<1638x1xf32>
    %eq3A_134 = vector.broadcast %broadcast_in_dim3A_133 : vector<1638x1xf32> to vector<1638x2048xf32>
    %eq3A_135 = arith.cmpf oeq, %add3A_129, %eq3A_134 : vector<1638x2048xf32>
    %jit3A_136 = arith.constant 8192 : i32
    %broadcast_in_dim3A_137 = vector.broadcast %jit3A_136 : i32 to vector<1638x2048xi32>
    %select_n3A_138 = arith.select %eq3A_135, %iota3A_132, %broadcast_in_dim3A_137 : vector<1638x2048xi1>, vector<1638x2048xi32>
    %reduce_min3A_139 = arith.constant dense<2147483647> : vector<1638xi32>
    %reduce_min3A_140 = vector.multi_reduction <minsi>, %select_n3A_138, %reduce_min3A_139 [1] : vector<1638x2048xi32> to vector<1638xi32>
    %lt3A_141 = arith.cmpf olt, %reduce_min3A_131, %convert_element_type3A_110 : vector<1638xf32>
    %add3A_142 = arith.constant 4096 : i32
    %add3A_143 = vector.broadcast %add3A_142 : i32 to vector<1638xi32>
    %add3A_144 = arith.addi %add3A_143, %reduce_min3A_140 : vector<1638xi32>
    %select_n3A_145 = arith.select %lt3A_141, %add3A_144, %select_n3A_106 : vector<1638xi1>, vector<1638xi32>
    %select_n3A_146 = arith.select %lt3A_141, %reduce_min3A_131, %select_n3A_107 : vector<1638xi1>, vector<1638xf32>
    %select_n3A_147 = arith.select %lt3A_141, %reduce_min3A_131, %convert_element_type3A_110 : vector<1638xi1>, vector<1638xf32>
    %convert_element_type3A_148 = arith.truncf %select_n3A_147 : vector<1638xf32> to vector<1638xbf16>
    %convert_element_type3A_149 = arith.extf %convert_element_type3A_148 : vector<1638xbf16> to vector<1638xf32>
    %get3A_150 = arith.constant 0 : index
    %get3A_151 = arith.constant 6144 : index
    %get3A_152 = vector.load %arg5[%get3A_150, %get3A_151] : memref<256x8192xf32, #tpu.memory_space<vmem>>, vector<256x2048xf32>
    %mul3A_153 = arith.mulf %get3A_152, %get3A_152 : vector<256x2048xf32>
    %reduce_sum3A_154 = arith.constant dense<0.000000e+00> : vector<2048xf32>
    %reduce_sum3A_155 = vector.multi_reduction <add>, %mul3A_153, %reduce_sum3A_154 [0] : vector<256x2048xf32> to vector<2048xf32>
    %broadcast_in_dim3A_156 = vector.shape_cast %reduce_sum3A_155 : vector<2048xf32> to vector<1x2048xf32>
    %get3A_157 = arith.constant 0 : index
    %get3A_158 = arith.constant 6144 : index
    %get3A_159 = vector.load %arg6[%get3A_157, %get3A_158] : memref<256x8192xbf16, #tpu.memory_space<vmem>>, vector<256x2048xbf16>
    %dot_general3A_160 = arith.constant dense<0.000000e+00> : vector<1638x2048xf32>
    %dot_general3A_161 = tpu.matmul %convert_element_type3A_34, %get3A_159, %dot_general3A_160 {dimension_numbers = #tpu.dot_dimension_numbers<[1], [0], [0], [1], [0, 0, 1, 1], [], []>, transpose_lhs_hint = false} : vector<1638x256xbf16>, vector<256x2048xbf16>, vector<1638x2048xf32> -> vector<1638x2048xf32>
    %mul3A_162 = arith.constant 2.000000e+00 : f32
    %mul3A_163 = vector.broadcast %mul3A_162 : f32 to vector<1638x2048xf32>
    %mul3A_164 = arith.mulf %mul3A_163, %dot_general3A_161 : vector<1638x2048xf32>
    %sub3A_165 = vector.broadcast %broadcast_in_dim3A_33 : vector<1638x1xf32> to vector<1638x2048xf32>
    %sub3A_166 = arith.subf %sub3A_165, %mul3A_164 : vector<1638x2048xf32>
    %add3A_167 = vector.broadcast %broadcast_in_dim3A_156 : vector<1x2048xf32> to vector<1638x2048xf32>
    %add3A_168 = arith.addf %sub3A_166, %add3A_167 : vector<1638x2048xf32>
    %reduce_min3A_169 = arith.constant dense<0x7F800000> : vector<1638xf32>
    %reduce_min3A_170 = vector.multi_reduction <minimumf>, %add3A_168, %reduce_min3A_169 [1] : vector<1638x2048xf32> to vector<1638xf32>
    %iota3A_171 = tpu.iota {dimensions = array<i32: 1>} : vector<1638x2048xi32>
    %broadcast_in_dim3A_172 = vector.shape_cast %reduce_min3A_170 : vector<1638xf32> to vector<1638x1xf32>
    %eq3A_173 = vector.broadcast %broadcast_in_dim3A_172 : vector<1638x1xf32> to vector<1638x2048xf32>
    %eq3A_174 = arith.cmpf oeq, %add3A_168, %eq3A_173 : vector<1638x2048xf32>
    %jit3A_175 = arith.constant 8192 : i32
    %broadcast_in_dim3A_176 = vector.broadcast %jit3A_175 : i32 to vector<1638x2048xi32>
    %select_n3A_177 = arith.select %eq3A_174, %iota3A_171, %broadcast_in_dim3A_176 : vector<1638x2048xi1>, vector<1638x2048xi32>
    %reduce_min3A_178 = arith.constant dense<2147483647> : vector<1638xi32>
    %reduce_min3A_179 = vector.multi_reduction <minsi>, %select_n3A_177, %reduce_min3A_178 [1] : vector<1638x2048xi32> to vector<1638xi32>
    %lt3A_180 = arith.cmpf olt, %reduce_min3A_170, %convert_element_type3A_149 : vector<1638xf32>
    %add3A_181 = arith.constant 6144 : i32
    %add3A_182 = vector.broadcast %add3A_181 : i32 to vector<1638xi32>
    %add3A_183 = arith.addi %add3A_182, %reduce_min3A_179 : vector<1638xi32>
    %select_n3A_184 = arith.select %lt3A_180, %add3A_183, %select_n3A_145 : vector<1638xi1>, vector<1638xi32>
    %select_n3A_185 = arith.select %lt3A_180, %reduce_min3A_170, %select_n3A_146 : vector<1638xi1>, vector<1638xf32>
    %swap3A = arith.constant 0 : index
    %swap3A_186 = arith.constant 0 : index
    %swap3A_187 = arith.constant 0 : index
    %swap3A_188 = vector.load %arg7[%swap3A, %swap3A_186, %swap3A_187] : memref<1x1x1638xi32, #tpu.memory_space<vmem>>, vector<1x1x1638xi32>
    %swap3A_189 = vector.shape_cast %swap3A_188 : vector<1x1x1638xi32> to vector<1638xi32>
    %swap3A_190 = vector.shape_cast %select_n3A_184 : vector<1638xi32> to vector<1x1x1638xi32>
    tpu.vector_store %arg7[%swap3A, %swap3A_186, %swap3A_187], %swap3A_190 {strides = array<i32>} : memref<1x1x1638xi32, #tpu.memory_space<vmem>>, vector<1x1x1638xi32>,
    %swap3A_191 = arith.constant 0 : index
    %swap3A_192 = arith.constant 0 : index
    %swap3A_193 = arith.constant 0 : index
    %swap3A_194 = vector.load %arg8[%swap3A_191, %swap3A_192, %swap3A_193] : memref<1x1x1638xf32, #tpu.memory_space<vmem>>, vector<1x1x1638xf32>
    %swap3A_195 = vector.shape_cast %swap3A_194 : vector<1x1x1638xf32> to vector<1638xf32>
    %swap3A_196 = vector.shape_cast %select_n3A_185 : vector<1638xf32> to vector<1x1x1638xf32>
    tpu.vector_store %arg8[%swap3A_191, %swap3A_192, %swap3A_193], %swap3A_196 {strides = array<i32>} : memref<1x1x1638xf32, #tpu.memory_space<vmem>>, vector<1x1x1638xf32>,
    return
  }
  func.func @transform_0(%arg0: i32) -> (i32, i32, i32) {
    %c0_i32 = arith.constant 0 : i32
    %c0_i32_0 = arith.constant 0 : i32
    %c0_i32_1 = arith.constant 0 : i32
    return %arg0, %c0_i32, %c0_i32_0 : i32, i32, i32
  }
  func.func @transform_1(%arg0: i32) -> (i32, i32) {
    %c0_i32 = arith.constant 0 : i32
    %c0_i32_0 = arith.constant 0 : i32
    %c0_i32_1 = arith.constant 0 : i32
    return %c0_i32, %c0_i32_0 : i32, i32
  }
  func.func @transform_2(%arg0: i32) -> (i32, i32) {
    %c0_i32 = arith.constant 0 : i32
    %c0_i32_0 = arith.constant 0 : i32
    %c0_i32_1 = arith.constant 0 : i32
    return %c0_i32, %c0_i32_0 : i32, i32
  }
  func.func @transform_3(%arg0: i32) -> (i32, i32) {
    %c0_i32 = arith.constant 0 : i32
    %c0_i32_0 = arith.constant 0 : i32
    %c0_i32_1 = arith.constant 0 : i32
    return %c0_i32, %c0_i32_0 : i32, i32
  }
  func.func @transform_4(%arg0: i32) -> (i32, i32) {
    %c0_i32 = arith.constant 0 : i32
    %c0_i32_0 = arith.constant 0 : i32
    %c0_i32_1 = arith.constant 0 : i32
    return %c0_i32, %c0_i32_0 : i32, i32
  }
  func.func @transform_5(%arg0: i32) -> (i32, i32) {
    %c0_i32 = arith.constant 0 : i32
    %c0_i32_0 = arith.constant 0 : i32
    %c0_i32_1 = arith.constant 0 : i32
    return %c0_i32, %c0_i32_0 : i32, i32
  }
  func.func @transform_6(%arg0: i32) -> (i32, i32, i32) {
    %c0_i32 = arith.constant 0 : i32
    %c0_i32_0 = arith.constant 0 : i32
    %c0_i32_1 = arith.constant 0 : i32
    return %arg0, %c0_i32, %c0_i32_0 : i32, i32, i32
  }
  func.func @transform_7(%arg0: i32) -> (i32, i32, i32) {
    %c0_i32 = arith.constant 0 : i32
    %c0_i32_0 = arith.constant 0 : i32
    %c0_i32_1 = arith.constant 0 : i32
    return %arg0, %c0_i32, %c0_i32_0 : i32, i32, i32
  }
}

module attributes {stable_mosaic.version = 14 : i64} {
  func.func @_dec_a_body(%arg0: i32, %arg1: memref<1x1638x256xf32, #tpu.memory_space<vmem>>, %arg2: memref<768x128xf32, #tpu.memory_space<vmem>>, %arg3: memref<128x320xf32, #tpu.memory_space<vmem>>, %arg4: memref<1x1638x320xf32, #tpu.memory_space<vmem>>) attributes {dimension_semantics = [#tpu.dimension_semantics<arbitrary>], iteration_bounds = array<i64: 16>, scalar_prefetch = 0 : i64, scratch_operands = 0 : i64, tpu.core_type = #tpu.core_type<tc>, window_params = [{transform_indices = @transform_0, window_bounds = array<i64: 1, 1638, 256>}, {pipeline_mode = #tpu.pipeline_mode<synchronous>, transform_indices = @transform_1, window_bounds = array<i64: 768, 128>}, {pipeline_mode = #tpu.pipeline_mode<synchronous>, transform_indices = @transform_2, window_bounds = array<i64: 128, 320>}, {transform_indices = @transform_3, window_bounds = array<i64: 1, 1638, 320>}]} {
    %get3A = arith.constant 0 : index
    %get3A_0 = arith.constant 0 : index
    %get3A_1 = arith.constant 0 : index
    %get3A_2 = vector.load %arg1[%get3A, %get3A_0, %get3A_1] : memref<1x1638x256xf32, #tpu.memory_space<vmem>>, vector<1x1638x256xf32>
    %get3A_3 = vector.shape_cast %get3A_2 : vector<1x1638x256xf32> to vector<1638x256xf32>
    %convert_element_type3A = arith.truncf %get3A_3 : vector<1638x256xf32> to vector<1638x256xbf16>
    %broadcast_in_dim3A = arith.constant 0.000000e+00 : bf16
    %broadcast_in_dim3A_4 = vector.broadcast %broadcast_in_dim3A : bf16 to vector<1x256xbf16>
    %slice3A = vector.extract_strided_slice %convert_element_type3A {offsets = [0, 0], sizes = [1637, 256], strides = [1, 1]} : vector<1638x256xbf16> to vector<1637x256xbf16>
    %concatenate3A = tpu.concatenate %broadcast_in_dim3A_4, %slice3A in 0 : vector<1x256xbf16>, vector<1637x256xbf16> -> vector<1638x256xbf16>
    %slice3A_5 = vector.extract_strided_slice %convert_element_type3A {offsets = [1, 0], sizes = [1637, 256], strides = [1, 1]} : vector<1638x256xbf16> to vector<1637x256xbf16>
    %concatenate3A_6 = tpu.concatenate %slice3A_5, %broadcast_in_dim3A_4 in 0 : vector<1637x256xbf16>, vector<1x256xbf16> -> vector<1638x256xbf16>
    %concatenate3A_7 = tpu.concatenate %concatenate3A, %convert_element_type3A, %concatenate3A_6 in 1 : vector<1638x256xbf16>, vector<1638x256xbf16>, vector<1638x256xbf16> -> vector<1638x768xbf16>
    %get3A_8 = arith.constant 0 : index
    %get3A_9 = arith.constant 0 : index
    %get3A_10 = vector.load %arg2[%get3A_8, %get3A_9] : memref<768x128xf32, #tpu.memory_space<vmem>>, vector<768x128xf32>
    %convert_element_type3A_11 = arith.truncf %get3A_10 : vector<768x128xf32> to vector<768x128xbf16>
    %dot_general3A = arith.constant dense<0.000000e+00> : vector<1638x128xf32>
    %dot_general3A_12 = tpu.matmul %concatenate3A_7, %convert_element_type3A_11, %dot_general3A {dimension_numbers = #tpu.dot_dimension_numbers<[1], [0], [0], [1], [0, 0, 1, 1], [], []>, transpose_lhs_hint = false} : vector<1638x768xbf16>, vector<768x128xbf16>, vector<1638x128xf32> -> vector<1638x128xf32>
    %max3A = arith.constant 0.000000e+00 : f32
    %max3A_13 = vector.broadcast %max3A : f32 to vector<1638x128xf32>
    %max3A_14 = arith.maximumf %dot_general3A_12, %max3A_13 : vector<1638x128xf32>
    %convert_element_type3A_15 = arith.truncf %max3A_14 : vector<1638x128xf32> to vector<1638x128xbf16>
    %get3A_16 = arith.constant 0 : index
    %get3A_17 = arith.constant 0 : index
    %get3A_18 = vector.load %arg3[%get3A_16, %get3A_17] : memref<128x320xf32, #tpu.memory_space<vmem>>, vector<128x320xf32>
    %convert_element_type3A_19 = arith.truncf %get3A_18 : vector<128x320xf32> to vector<128x320xbf16>
    %dot_general3A_20 = arith.constant dense<0.000000e+00> : vector<1638x320xf32>
    %dot_general3A_21 = tpu.matmul %convert_element_type3A_15, %convert_element_type3A_19, %dot_general3A_20 {dimension_numbers = #tpu.dot_dimension_numbers<[1], [0], [0], [1], [0, 0, 1, 1], [], []>, transpose_lhs_hint = false} : vector<1638x128xbf16>, vector<128x320xbf16>, vector<1638x320xf32> -> vector<1638x320xf32>
    %max3A_22 = arith.constant 0.000000e+00 : f32
    %max3A_23 = vector.broadcast %max3A_22 : f32 to vector<1638x320xf32>
    %max3A_24 = arith.maximumf %dot_general3A_21, %max3A_23 : vector<1638x320xf32>
    %swap3A = arith.constant 0 : index
    %swap3A_25 = arith.constant 0 : index
    %swap3A_26 = arith.constant 0 : index
    %swap3A_27 = vector.load %arg4[%swap3A, %swap3A_25, %swap3A_26] : memref<1x1638x320xf32, #tpu.memory_space<vmem>>, vector<1x1638x320xf32>
    %swap3A_28 = vector.shape_cast %swap3A_27 : vector<1x1638x320xf32> to vector<1638x320xf32>
    %swap3A_29 = vector.shape_cast %max3A_24 : vector<1638x320xf32> to vector<1x1638x320xf32>
    tpu.vector_store %arg4[%swap3A, %swap3A_25, %swap3A_26], %swap3A_29 {strides = array<i32>} : memref<1x1638x320xf32, #tpu.memory_space<vmem>>, vector<1x1638x320xf32>,
    return
  }
  func.func @transform_0(%arg0: i32) -> (i32, i32, i32) {
    %c0_i32 = arith.constant 0 : i32
    %c0_i32_0 = arith.constant 0 : i32
    %c0_i32_1 = arith.constant 0 : i32
    return %arg0, %c0_i32, %c0_i32_0 : i32, i32, i32
  }
  func.func @transform_1(%arg0: i32) -> (i32, i32) {
    %c0_i32 = arith.constant 0 : i32
    %c0_i32_0 = arith.constant 0 : i32
    %c0_i32_1 = arith.constant 0 : i32
    return %c0_i32, %c0_i32_0 : i32, i32
  }
  func.func @transform_2(%arg0: i32) -> (i32, i32) {
    %c0_i32 = arith.constant 0 : i32
    %c0_i32_0 = arith.constant 0 : i32
    %c0_i32_1 = arith.constant 0 : i32
    return %c0_i32, %c0_i32_0 : i32, i32
  }
  func.func @transform_3(%arg0: i32) -> (i32, i32, i32) {
    %c0_i32 = arith.constant 0 : i32
    %c0_i32_0 = arith.constant 0 : i32
    %c0_i32_1 = arith.constant 0 : i32
    return %arg0, %c0_i32, %c0_i32_0 : i32, i32, i32
  }
}

module attributes {stable_mosaic.version = 14 : i64} {
  func.func @_dec_b_body(%arg0: i32, %arg1: memref<1x8182x64xf32, #tpu.memory_space<vmem>>, %arg2: memref<320x1xf32, #tpu.memory_space<vmem>>, %arg3: memref<1x8182x1xf32, #tpu.memory_space<vmem>>) attributes {dimension_semantics = [#tpu.dimension_semantics<arbitrary>], iteration_bounds = array<i64: 16>, scalar_prefetch = 0 : i64, scratch_operands = 0 : i64, tpu.core_type = #tpu.core_type<tc>, window_params = [{transform_indices = @transform_0, window_bounds = array<i64: 1, 8182, 64>}, {pipeline_mode = #tpu.pipeline_mode<synchronous>, transform_indices = @transform_1, window_bounds = array<i64: 320, 1>}, {transform_indices = @transform_2, window_bounds = array<i64: 1, 8182, 1>}]} {
    %get3A = arith.constant 0 : index
    %get3A_0 = arith.constant 0 : index
    %get3A_1 = arith.constant 0 : index
    %get3A_2 = vector.load %arg1[%get3A, %get3A_0, %get3A_1] : memref<1x8182x64xf32, #tpu.memory_space<vmem>>, vector<1x8182x64xf32>
    %get3A_3 = vector.shape_cast %get3A_2 : vector<1x8182x64xf32> to vector<8182x64xf32>
    %convert_element_type3A = arith.truncf %get3A_3 : vector<8182x64xf32> to vector<8182x64xbf16>
    %broadcast_in_dim3A = arith.constant 0.000000e+00 : bf16
    %broadcast_in_dim3A_4 = vector.broadcast %broadcast_in_dim3A : bf16 to vector<2x64xbf16>
    %broadcast_in_dim3A_5 = arith.constant 0.000000e+00 : bf16
    %broadcast_in_dim3A_6 = vector.broadcast %broadcast_in_dim3A_5 : bf16 to vector<1x64xbf16>
    %slice3A = vector.extract_strided_slice %convert_element_type3A {offsets = [0, 0], sizes = [8180, 64], strides = [1, 1]} : vector<8182x64xbf16> to vector<8180x64xbf16>
    %concatenate3A = tpu.concatenate %broadcast_in_dim3A_4, %slice3A in 0 : vector<2x64xbf16>, vector<8180x64xbf16> -> vector<8182x64xbf16>
    %slice3A_7 = vector.extract_strided_slice %convert_element_type3A {offsets = [0, 0], sizes = [8181, 64], strides = [1, 1]} : vector<8182x64xbf16> to vector<8181x64xbf16>
    %concatenate3A_8 = tpu.concatenate %broadcast_in_dim3A_6, %slice3A_7 in 0 : vector<1x64xbf16>, vector<8181x64xbf16> -> vector<8182x64xbf16>
    %slice3A_9 = vector.extract_strided_slice %convert_element_type3A {offsets = [1, 0], sizes = [8181, 64], strides = [1, 1]} : vector<8182x64xbf16> to vector<8181x64xbf16>
    %concatenate3A_10 = tpu.concatenate %slice3A_9, %broadcast_in_dim3A_6 in 0 : vector<8181x64xbf16>, vector<1x64xbf16> -> vector<8182x64xbf16>
    %slice3A_11 = vector.extract_strided_slice %convert_element_type3A {offsets = [2, 0], sizes = [8180, 64], strides = [1, 1]} : vector<8182x64xbf16> to vector<8180x64xbf16>
    %concatenate3A_12 = tpu.concatenate %slice3A_11, %broadcast_in_dim3A_4 in 0 : vector<8180x64xbf16>, vector<2x64xbf16> -> vector<8182x64xbf16>
    %concatenate3A_13 = tpu.concatenate %concatenate3A, %concatenate3A_8, %convert_element_type3A, %concatenate3A_10, %concatenate3A_12 in 1 : vector<8182x64xbf16>, vector<8182x64xbf16>, vector<8182x64xbf16>, vector<8182x64xbf16>, vector<8182x64xbf16> -> vector<8182x320xbf16>
    %get3A_14 = arith.constant 0 : index
    %get3A_15 = arith.constant 0 : index
    %get3A_16 = vector.load %arg2[%get3A_14, %get3A_15] : memref<320x1xf32, #tpu.memory_space<vmem>>, vector<320x1xf32>
    %convert_element_type3A_17 = arith.truncf %get3A_16 : vector<320x1xf32> to vector<320x1xbf16>
    %dot_general3A = arith.constant dense<0.000000e+00> : vector<8182x1xf32>
    %dot_general3A_18 = tpu.matmul %concatenate3A_13, %convert_element_type3A_17, %dot_general3A {dimension_numbers = #tpu.dot_dimension_numbers<[1], [0], [0], [1], [0, 0, 1, 1], [], []>, transpose_lhs_hint = false} : vector<8182x320xbf16>, vector<320x1xbf16>, vector<8182x1xf32> -> vector<8182x1xf32>
    %swap3A = arith.constant 0 : index
    %swap3A_19 = arith.constant 0 : index
    %swap3A_20 = arith.constant 0 : index
    %swap3A_21 = vector.load %arg3[%swap3A, %swap3A_19, %swap3A_20] : memref<1x8182x1xf32, #tpu.memory_space<vmem>>, vector<1x8182x1xf32>
    %swap3A_22 = vector.shape_cast %swap3A_21 : vector<1x8182x1xf32> to vector<8182x1xf32>
    %swap3A_23 = vector.shape_cast %dot_general3A_18 : vector<8182x1xf32> to vector<1x8182x1xf32>
    tpu.vector_store %arg3[%swap3A, %swap3A_19, %swap3A_20], %swap3A_23 {strides = array<i32>} : memref<1x8182x1xf32, #tpu.memory_space<vmem>>, vector<1x8182x1xf32>,
    return
  }
  func.func @transform_0(%arg0: i32) -> (i32, i32, i32) {
    %c0_i32 = arith.constant 0 : i32
    %c0_i32_0 = arith.constant 0 : i32
    %c0_i32_1 = arith.constant 0 : i32
    return %arg0, %c0_i32, %c0_i32_0 : i32, i32, i32
  }
  func.func @transform_1(%arg0: i32) -> (i32, i32) {
    %c0_i32 = arith.constant 0 : i32
    %c0_i32_0 = arith.constant 0 : i32
    %c0_i32_1 = arith.constant 0 : i32
    return %c0_i32, %c0_i32_0 : i32, i32
  }
  func.func @transform_2(%arg0: i32) -> (i32, i32, i32) {
    %c0_i32 = arith.constant 0 : i32
    %c0_i32_0 = arith.constant 0 : i32
    %c0_i32_1 = arith.constant 0 : i32
    return %arg0, %c0_i32, %c0_i32_0 : i32, i32, i32
  }
}

</mosaic_0001>

<sc_bundles>
// kernel: kernel.6.cloned.1.call-start
scs
__scs_entry_jumppad:
0x0: {  	(pc) =	sbr.rel $0x88, $3  }
0x1: {  	(tag) =	ssettag $0x0;
	lr =	simm.s32 $0x1  }
0x2: {  	[smem:$0x3F98] =	sst lr;
	_ =	strace $0xD0000000  }
0x3: {  	_ = 	snop  }
0x4: {  	_ = 	snop  }
0x5: {  	_ = 	snop  }
0x6: {  	_ = 	snop  }
0x7: {  	_ = 	snop  }
__scs_overlays_trampoline_lowered:
0x8: {  	[smem:$0x3FA7] =	sst s0  }
0x9: {  	[smem:$0x3FA8] =	sst s1  }
0xa: {  	[smem:$0x3FA9] =	sst s2  }
0xb: {  	[smem:$0x3FAA] =	sst s3  }
0xc: {  	[smem:$0x3FAB] =	sst s4  }
0xd: {  	[smem:$0x3FAC] =	sst s5  }
0xe: {  	[smem:$0x3FAD] =	sst s6  }
0xf: {  	[smem:$0x3FAE] =	sst s7  }
0x10: {  	[smem:$0x3FAF] =	sst s8  }
0x11: {  	[smem:$0x3FB0] =	sst s9;
	s0 =	simm.s32 @!p0 $0x0  }
0x12: {  	s1 =	sld [smem:$0x3F96];
	s0 =	simm.s32 @p0 $0x1  }
0x13: {  	[smem:$0x3FB1] =	sst s0;
	s0 =	simm.s32 @!p1 $0x0  }
0x14: {  	s2 =	sld [smem:$0x3F95];
	s0 =	simm.s32 @p1 $0x1  }
0x15: {  	[smem:$0x3FB2] =	sst s0;
	s0 =	simm.s32 @!p2 $0x0  }
0x16: {  	s3 =	sld [smem:$0x3FDB];
	s0 =	simm.s32 @p2 $0x1  }
0x17: {  	s4 =	simm.s32 $0x1BF5;
	[smem:$0x3FB4] =	sst s0  }
0x18: {  	s0 =	sld [smem:$0x3F97];
	_ =	swait.ge [sflag:s4], $0x0  }
0x19: {  	s7 =	sld [smem:$0x3F98]  }
0x1a: {  	s8 =	sadd.s32 $0xFFFFE003, lr  }
0x1b: {  	s9 =	sadd.s32 $0xFFFFFEF7, lr;
	s5 =	simm.s32 $0xFFFFFFFF;
	p2 =	slt.u32 s8, $0xFFFFF086  }
0x1c: {  	p1 =	slt.u32 s9, $0xF7A;
	s5 =	simm.s32 @!p2 $0x0  }
0x1d: {  	s5 =	simm.s32 @p1 $0x1;
	p0 =	seq.s32 s7, s2  }
0x1e: {  	s7 =	smul.u32 @!p0 $0xF7A, s2;
	p2 =	seq.s32 @!p0 s5, $0x0  }
0x1f: {  	s9 =	smul.u32 $0xF7A, s1;
	s8 =	simm.s32 @!p0 $0x1BF5;
	p2 =	por !p2, p0  }
0x20: {  	[sflag:s8] =	ssyncset.s32 @!p0 $0xFFFFF086;
	s6 =	sadd.s32 @!p0 s3, s7;
	s7 =	simm.s32 @!p0 $0x108  }
0x21: {  	s3 =	sadd.s32 s3, s9;
	s6 =	sadd.s32 @!p0 $0x88, s6;
	s7 =	simm.s32 @p2 $0x1082  }
0x22: {  	[simem:s7], [sflag:s8] =	dma.local @!p0 [hbm:s6], $0xF7A  }
0x23: {  	s9 =	sor.u32 $0xD0000000, s2;
	s6 =	simm.s32 $0x108;
	_ =	swait.ge @!p0 [sflag:s8], $0x0  }
0x24: {  	s3 =	sadd.s32 $0x88, s3;
	s6 =	simm.s32 @!p1 $0x1082;
	[sflag:s4] =	ssyncset.s32 $0xFFFFF086  }
0x25: {  	[simem:s6], [sflag:s4] =	dma.local [hbm:s3], $0xF7A  }
0x26: {  	[smem:$0x3F98] =	sst s1;
	(tag) =	ssettag s2;
	_ =	strace s9  }
0x27: {  	s1 =	sld [smem:$0x3FA8]  }
0x28: {  	s2 =	sld [smem:$0x3FA9]  }
0x29: {  	s4 =	sld [smem:$0x3FAB]  }
0x2a: {  	p0 =	seq.s32 s5, $0x0;
	s5 =	sld [smem:$0x3FAC]  }
0x2b: {  	s6 =	sld [smem:$0x3FAD]  }
0x2c: {  	s7 =	sld [smem:$0x3FAE]  }
0x2d: {  	s3 =	simm.s32 $0x108;
	s8 =	sld [smem:$0x3FAF]  }
0x2e: {  	s3 =	simm.s32 @!p0 $0x1082;
	s9 =	sld [smem:$0x3FB0]  }
0x2f: {  	lr =	sadd.s32 s0, s3;
	s0 =	sld [smem:$0x3FA7]  }
0x30: {  	s3 =	sld [smem:$0x3FAA]  }
0x31: {  	[smem:$0x3FB3] =	sst s10  }
0x32: {  	s10 =	sld [smem:$0x3FB1];
	_ =	sdelay $0x3  }
0x33: {  	p0 =	seq.s32 s10, $0x1;
	s10 =	sld [smem:$0x3FB3];
	_ =	sdelay $0x3  }
0x34: {  	[smem:$0x3FB3] =	sst s10  }
0x35: {  	s10 =	sld [smem:$0x3FB2];
	_ =	sdelay $0x3  }
0x36: {  	p1 =	seq.s32 s10, $0x1;
	s10 =	sld [smem:$0x3FB3];
	_ =	sdelay $0x3  }
0x37: {  	[smem:$0x3FB3] =	sst s10  }
0x38: {  	s10 =	sld [smem:$0x3FB4]  }
0x39: {  	_ = 	snop;
	(pc) =	sbr.ind lr, $3  }
0x3a: {  	_ = 	snop  }
0x3b: {  	_ = 	snop  }
0x3c: {  	p2 =	seq.s32 s10, $0x1;
	s10 =	sld [smem:$0x3FB3]  }
0x3d: {  	_ =	shalt  }
0x3e: {  	_ =	shalt  }
0x3f: {  	_ =	shalt  }
0x40: {  	_ =	shalt  }
0x41: {  	_ =	shalt  }
0x42: {  	_ =	shalt  }
0x43: {  	_ =	shalt  }
0x44: {  	_ =	shalt  }
0x45: {  	_ =	shalt  }
0x46: {  	_ =	shalt  }
0x47: {  	_ =	shalt  }
0x48: {  	_ =	shalt  }
0x49: {  	_ =	shalt  }
0x4a: {  	_ =	shalt  }
0x4b: {  	_ =	shalt  }
0x4c: {  	_ =	shalt  }
0x4d: {  	_ =	shalt  }
0x4e: {  	_ =	shalt  }
0x4f: {  	_ =	shalt  }
0x50: {  	_ =	shalt  }
0x51: {  	_ =	shalt  }
0x52: {  	_ =	shalt  }
0x53: {  	_ =	shalt  }
0x54: {  	_ =	shalt  }
0x55: {  	_ =	shalt  }
0x56: {  	_ =	shalt  }
0x57: {  	_ =	shalt  }
0x58: {  	_ =	shalt  }
0x59: {  	_ =	shalt  }
0x5a: {  	_ =	shalt  }
0x5b: {  	_ =	shalt  }
0x5c: {  	_ =	shalt  }
0x5d: {  	_ =	shalt  }
0x5e: {  	_ =	shalt  }
0x5f: {  	_ =	shalt  }
0x60: {  	_ =	shalt  }
0x61: {  	_ =	shalt  }
0x62: {  	_ =	shalt  }
0x63: {  	_ =	shalt  }
0x64: {  	_ =	shalt  }
0x65: {  	_ =	shalt  }
0x66: {  	_ =	shalt  }
0x67: {  	_ =	shalt  }
0x68: {  	_ =	shalt  }
0x69: {  	_ =	shalt  }
0x6a: {  	_ =	shalt  }
0x6b: {  	_ =	shalt  }
0x6c: {  	_ =	shalt  }
0x6d: {  	_ =	shalt  }
0x6e: {  	_ =	shalt  }
0x6f: {  	_ =	shalt  }
0x70: {  	_ =	shalt  }
0x71: {  	_ =	shalt  }
0x72: {  	_ =	shalt  }
0x73: {  	_ =	shalt  }
0x74: {  	_ =	shalt  }
0x75: {  	_ =	shalt  }
0x76: {  	_ =	shalt  }
0x77: {  	_ =	shalt  }
0x78: {  	_ =	shalt  }
0x79: {  	_ =	shalt  }
0x7a: {  	_ =	shalt  }
0x7b: {  	_ =	shalt  }
0x7c: {  	_ =	shalt  }
0x7d: {  	_ =	shalt  }
0x7e: {  	_ =	shalt  }
0x7f: {  	_ =	shalt  }
0x80: {  	_ =	shalt  }
0x81: {  	_ =	shalt  }
0x82: {  	_ =	shalt  }
0x83: {  	_ =	shalt  }
0x84: {  	_ =	shalt  }
0x85: {  	_ =	shalt  }
0x86: {  	_ =	shalt  }
0x87: {  	_ =	shalt  }
.Lfunc_end0:
.L_simem_size_0:
called_computation_lowered:
.L_overlay_start_0:
0x88: {  	s2 =	sld [smem:$0x3FD9]  }
0x89: {  	s3 =	sld [smem:$0x3FFE];
	_ =	sdelay $0x1  }
0x8a: {  	s1 =	srdreg.scid  }
0x8b: {  	s0 =	sand.u32 $0x1, s1  }
0x8c: {  	s14 =	sshll.u32 s0, $0xA;
	s2 =	sadd.s32 s3, s2  }
0x8d: {  	s2 =	sadd.s32 s2, s14  }
0x8e: {  	[smem:$0x3FBF] =	sst s2  }
0x8f: {  	_ = 	snop  }
0x90: {  	s2 =	sld [smem:$0x3FD0];
	_ =	sdelay $0x2  }
0x91: {  	s4 =	simm.s32 $0xA;
	s5 =	simm.s32 $0x10;
	s15 =	sld [smem:$0x3FC4]  }
0x92: {  	[smem:s5], [sflag:s4] =	dma.local [hbm:s2], $0x1  }
0x93: {  	_ =	swait.eq [sflag:s4], $0x1  }
0x94: {  	[sflag:s4] =	ssyncset.done $0x0  }
0x95: {  	[sflag:s4] =	ssyncadd.s32 $0xFFFFFFFF  }
0x96: {  	s16 =	sld [smem:$0x10];
	(tm) =	ssettm $0x1  }
0x97: {  	s17 =	sld [smem:$0x3FFB];
	_ =	sdelay $0x3  }
0x98: {  	_ =	strace s17  }
0x99: {  	s4 =	sld [smem:$0x3FFC];
	_ =	sdelay $0x3  }
0x9a: {  	_ =	strace s4  }
0x9b: {  	s4 =	sld [smem:$0x3FFD];
	_ =	sdelay $0x3  }
0x9c: {  	_ =	strace s4  }
0x9d: {  	_ =	strace $0x8FFFFFFF  }
0x9e: {  	s18 =	sld [smem:$0x3FDB];
	_ =	sdelay $0x1  }
0x9f: {  	s19 =	simm.s32 $_scs_section_size  }
0xa0: {  	s6 =	simm.s32 $_size__tile_overlayer_lowered;
	s7 =	simm.s32 $_tile_overlayer_lowered  }
0xa1: {  	s22 =	simm.s32 $0x1BFF;
	s21 =	sshll.u32 s7, $0x1;
	s4 =	sadd.s32 s19, s18  }
0xa2: {  	s8 =	simm.s32 $0x0;
	s20 =	sshll.u32 s6, $0x1;
	s6 =	sadd.s32 s21, s4  }
0xa3: {  	[timem:s8], [sflag:s22] =	dma.local [hbm:s6], s20  }
0xa4: {  	_ =	swait.ge [sflag:s22], s20  }
0xa5: {  	s5 =	ssub.s32 $0x0, s20;
	[sflag:s22] =	ssyncset.done $0x0  }
0xa6: {  	[sflag:s22] =	ssyncadd.s32 s5;
	_ =	sdelay $0x1  }
0xa7: {  	s23 =	simm.s32 $0x1B8B  }
0xa8: {  	_ =	swait.ge [sflag:s23], $0x1  }
0xa9: {  	[sflag:s23] =	ssyncset.done $0x0  }
0xaa: {  	s25 =	simm.s32 $0x1B8E;
	s24 =	sld [smem:$0x3FFE];
	[sflag:s23] =	ssyncadd.s32 $0xFFFFFFFF  }
0xab: {  	s26 =	simm.s32 $execute0_lowered;
	[smem:$0x3FD2] =	sst s25  }
0xac: {  	s6 =	sshll.u32 s26, $0x1;
	_ =	strace $0x80000046;
	[dreg:$0x1] =	wrdreg $0xFFFFFFFF  }
0xad: {  	s28 =	simm.s32 $_size_execute0_lowered;
	s4 =	sadd.s32 s4, s6;
	[dreg:$0x0] =	wrdreg $0x0  }
0xae: {  	s6 =	sshll.u32 s28, $0x1;
	[dreg:$0x2] =	wrdreg s4  }
0xaf: {  	[dreg:$0x3] =	wrdreg s6  }
0xb0: {  	[dreg:$0x4] =	wrdreg $0xC0  }
0xb1: {  	_ =	task [dreg:s8], $0x5FFFF  }
0xb2: {  	[dreg:$0x1] =	wrdreg $0xFFFFFFFF  }
0xb3: {  	[dreg:$0x0] =	wrdreg $0x60  }
0xb4: {  	[dreg:$0x2] =	wrdreg s15  }
0xb5: {  	[dreg:$0x3] =	wrdreg s16  }
0xb6: {  	[dreg:$0x4] =	wrdreg s24  }
0xb7: {  	[dreg:$0x5] =	wrdreg $0x9  }
0xb8: {  	_ =	task.clear_ibuf [dreg:s8], $0x6FFFF;
	_ =	strace $0x90000046  }
0xb9: {  	s29 =	simm.s32 $0x9;
	_ =	strace $0x80000048  }
0xba: {  	_ =	swait.ge [sflag:s29], $0x1  }
0xbb: {  	[sflag:s29] =	ssyncadd.s32 $0xFFFFFFFF  }
0xbc: {  	_ =	strace $0x90000048  }
0xbd: {  	_ =	sfence  }
0xbe: {  	s30 =	sld [smem:$0x0];
	_ =	sdelay $0x2  }
0xbf: {  	s31 =	sshll.u32 s1, $0xD;
	s1 =	sshrl.u32 s1, $0x2  }
0xc0: {  	s3 =	sand.u32 $0x4000, s31;
	s1 =	sadd.s32 s1, s30  }
0xc1: {  	s0 =	sor.u32 s3, s0;
	s1 =	sshll.u32 s1, $0x11  }
0xc2: {  	s0 =	sor.u32 s1, s0  }
0xc3: {  	s0 =	sadd.s32 $0x8F2B, s0  }
0xc4: {  	[sflag:s0] =	ssyncadd.remote.s32 $0x1  }
0xc5: {  	_ =	sfence.sel $0xFFFF  }
0xc6: {  	[dreg:$0x0] =	wrdreg $0xFFFFFFFF;
	(pc) =	sbr.abs _section_cstart, $3  }
0xc7: {  	[dreg:$0x1] =	wrdreg $0xFFFFFFFF  }
0xc8: {  	_ =	task.clear_ibuf [dreg:s8], $0x2FFFF;
	_ =	strace $0x9FFFFFFF  }
0xc9: {  	(tm) =	ssettm $0x7FFFFFFF  }
tec
execute0_lowered:
.L_overlay_start_1:
0x0: {  	(tag) =	ssettag $0x1  }
0x1: {  	s1 =	rddreg [dreg:$0x0]  }
0x2: {  	s0 =	srdreg.scid;
	s2 =	rddreg [dreg:$0x1]  }
0x3: {  	s3 =	stileid.u32;
	s4 =	rddreg [dreg:$0x2];
	s9 =	simm.s32 $0x1100  }
0x4: {  	s10 =	simm.s32 $0x1900;
	s11 =	simm.s32 $0x2100;
	s12 =	simm.s32 $0x2900  }
0x5: {  	s13 =	simm.s32 $0x3100;
	s14 =	simm.s32 $0x3900;
	s15 =	simm.s32 $0x4100  }
0x6: {  	s16 =	simm.s32 $0x4900;
	s17 =	simm.s32 $0x5100;
	s18 =	simm.s32 $0x5900  }
0x7: {  	s19 =	simm.s32 $0x6100;
	s20 =	simm.s32 $0x6900;
	s28 =	simm.s32 $0xA100  }
0x8: {  	s29 =	simm.s32 $0xA900;
	s0 =	sand.u32 $0x1, s0;
	s3 =	sshll.u32 s3, $0x1  }
0x9: {  	s30 =	simm.s32 $0xB100;
	s31 =	simm.s32 $0xB900;
	s5 =	sor.u32 s0, s3  }
0xa: {  	s3 =	simm.s32 $0x0;
	s0 =	ssub.s32 $0x2, s0;
	s6 =	smul.u32 $0x338, s5  }
0xb: {  	[smem:$0x7FF] =	sst s3;
	s5 =	smul.u32 $0x6700, s5;
	s8 =	sshrl.u32 s0, $0x1  }
0xc: {  	s4 =	sadd.s32 $0x400, s4;
	_ =	strace $0x80000047;
	s0 =	ssub.s32 s0, s8  }
0xd: {  	s8 =	simm.s32 $0x900;
	s7 =	sshrl.u32 s6, $0x3;
	s5 =	sadd.s32 s4, s5  }
0xe: {  	s21 =	sadd.s32 $0xD0, s6;
	s6 =	sadd.s32 $0x1A0, s6;
	s7 =	sadd.s32 s2, s7  }
0xf: {  	[dreg:$0x5] =	wrdreg s5;
	s22 =	sshrl.u32 s21, $0x3;
	s24 =	sshrl.u32 s6, $0x3  }
0x10: {  	s25 =	sshll.u32 s6, $0x5;
	[dreg:$0x4] =	wrdreg s7;
	s5 =	sadd.s32 s2, s22  }
0x11: {  	s7 =	sshll.u32 s21, $0x5;
	s2 =	sadd.s32 s2, s24;
	s26 =	sadd.s32 s4, s25  }
0x12: {  	s21 =	simm.s32 $0x7100;
	s22 =	simm.s32 $0x7900;
	[dreg:$0x6] =	wrdreg s5  }
0x13: {  	s24 =	simm.s32 $0x8900;
	s25 =	simm.s32 $0x9100;
	[dreg:$0x8] =	wrdreg s2  }
0x14: {  	v2 =	vlaneseq.u32;
	s23 =	sadd.s32 s4, s7;
	[dreg:$0x9] =	wrdreg s26;
	s4 =	smax.u32 s0, $0x1  }
0x15: {  	vm0 =	vmmov $0xffff;
	v1 =	vshrl.u32 v2, $0x3;
	s5 =	simm.s32 $0x2;
	s0 =	simm.s32 $0x1;
	s2 =	simm.s32 $0x100  }
0x16: {  	v0 =	vand.u32 $0x7, v2;
	v2 =	vor.u32 $0x8, v2;
	v1 =	vmul.u32 $0x8, v1;
	s26 =	simm.s32 $0x9900;
	[dreg:$0x7] =	wrdreg s23;
	s23 =	simm.s32 $0x8100  }
.LBB2_1:
0x17: {  	s7 =	rddreg [dreg:$0x4]  }
0x18: {  	[tilespmem:s3], [sflag:$0x2] =	stream.linear.gather [hbm4b:s7+s3], $0xD0, $0x38;
	[tilespmem:$0xD100] =	vst v63  }
0x19: {  	_ =	swait.ge [sflag:s5], $0xD0  }
0x1a: {  	[sflag:s5] =	ssyncset.done $0x0  }
0x1b: {  	[sflag:s5] =	ssyncadd.s32 $0xFFFFFF30  }
0x1c: {  	v3 =	vld [tilespmem:$0x0];
	_ =	sdelay $0x4  }
0x1d: {  	v4 =	vshll.u32 v3, $0x1  }
0x1e: {  	v3 =	vand.u32 $0x7, v3;
	v4 =	vand.u32 $0xFFFFFFF0, v4  }
0x1f: {  	v3 =	vor.u32 v3, v4  }
0x20: {  	v4 =	vperm.xlane v3, v0;
	_ =	sdelay $0x1  }
0x21: {  	v3 =	vperm.xlane v3, v2;
	v4 =	vadd.s32 v1, v4;
	_ =	sdelay $0x1  }
0x22: {  	v3 =	vadd.s32 v1, v3;
	_ =	sdelay $0x2  }
0x23: {  	[tilespmem:s2], [sflag:$0x1] =	stream.indirect_vreg.gather [hbm4b:s1+s3], $0x80, v4, vm0, $0xb8;
	[tilespmem:$0xD100] =	vst v63  }
0x24: {  	_ = 	snop  }
0x25: {  	[tilespmem:s8], [sflag:$0x1] =	stream.indirect_vreg.gather [hbm4b:s1+s3], $0x80, v3, vm0, $0xb8;
	[tilespmem:$0xD100] =	vst v63  }
0x26: {  	v3 =	vld [tilespmem:$0x10];
	_ =	sdelay $0x4  }
0x27: {  	v26 =	vshll.u32 v3, $0x1  }
0x28: {  	v3 =	vand.u32 $0x7, v3;
	v4 =	vand.u32 $0xFFFFFFF0, v26  }
0x29: {  	v3 =	vor.u32 v3, v4  }
0x2a: {  	v4 =	vperm.xlane v3, v0;
	_ =	sdelay $0x1  }
0x2b: {  	v3 =	vperm.xlane v3, v2;
	v4 =	vadd.s32 v1, v4;
	_ =	sdelay $0x1  }
0x2c: {  	v3 =	vadd.s32 v1, v3;
	_ =	sdelay $0x2  }
0x2d: {  	[tilespmem:s9], [sflag:$0x1] =	stream.indirect_vreg.gather [hbm4b:s1+s3], $0x80, v4, vm0, $0xb8;
	[tilespmem:$0xD100] =	vst v63  }
0x2e: {  	_ = 	snop  }
0x2f: {  	[tilespmem:s10], [sflag:$0x1] =	stream.indirect_vreg.gather [hbm4b:s1+s3], $0x80, v3, vm0, $0xb8;
	[tilespmem:$0xD100] =	vst v63  }
0x30: {  	v3 =	vld [tilespmem:$0x20];
	_ =	sdelay $0x4  }
0x31: {  	v27 =	vshll.u32 v3, $0x1  }
0x32: {  	v3 =	vand.u32 $0x7, v3;
	v4 =	vand.u32 $0xFFFFFFF0, v27  }
0x33: {  	v3 =	vor.u32 v3, v4  }
0x34: {  	v4 =	vperm.xlane v3, v0;
	_ =	sdelay $0x1  }
0x35: {  	v3 =	vperm.xlane v3, v2;
	v4 =	vadd.s32 v1, v4;
	_ =	sdelay $0x1  }
0x36: {  	v3 =	vadd.s32 v1, v3;
	_ =	sdelay $0x2  }
0x37: {  	[tilespmem:s11], [sflag:$0x1] =	stream.indirect_vreg.gather [hbm4b:s1+s3], $0x80, v4, vm0, $0xb8;
	[tilespmem:$0xD100] =	vst v63  }
0x38: {  	_ = 	snop  }
0x39: {  	[tilespmem:s12], [sflag:$0x1] =	stream.indirect_vreg.gather [hbm4b:s1+s3], $0x80, v3, vm0, $0xb8;
	[tilespmem:$0xD100] =	vst v63  }
0x3a: {  	v3 =	vld [tilespmem:$0x30];
	_ =	sdelay $0x4  }
0x3b: {  	v28 =	vshll.u32 v3, $0x1  }
0x3c: {  	v3 =	vand.u32 $0x7, v3;
	v4 =	vand.u32 $0xFFFFFFF0, v28  }
0x3d: {  	v3 =	vor.u32 v3, v4  }
0x3e: {  	v4 =	vperm.xlane v3, v0;
	_ =	sdelay $0x1  }
0x3f: {  	v3 =	vperm.xlane v3, v2;
	v4 =	vadd.s32 v1, v4;
	_ =	sdelay $0x1  }
0x40: {  	v3 =	vadd.s32 v1, v3;
	_ =	sdelay $0x2  }
0x41: {  	[tilespmem:s13], [sflag:$0x1] =	stream.indirect_vreg.gather [hbm4b:s1+s3], $0x80, v4, vm0, $0xb8;
	[tilespmem:$0xD100] =	vst v63  }
0x42: {  	_ = 	snop  }
0x43: {  	[tilespmem:s14], [sflag:$0x1] =	stream.indirect_vreg.gather [hbm4b:s1+s3], $0x80, v3, vm0, $0xb8;
	[tilespmem:$0xD100] =	vst v63  }
0x44: {  	v3 =	vld [tilespmem:$0x40];
	_ =	sdelay $0x4  }
0x45: {  	v29 =	vshll.u32 v3, $0x1  }
0x46: {  	v3 =	vand.u32 $0x7, v3;
	v4 =	vand.u32 $0xFFFFFFF0, v29  }
0x47: {  	v3 =	vor.u32 v3, v4  }
0x48: {  	v4 =	vperm.xlane v3, v0;
	_ =	sdelay $0x1  }
0x49: {  	v3 =	vperm.xlane v3, v2;
	v4 =	vadd.s32 v1, v4;
	_ =	sdelay $0x1  }
0x4a: {  	v3 =	vadd.s32 v1, v3;
	_ =	sdelay $0x2  }
0x4b: {  	[tilespmem:s15], [sflag:$0x1] =	stream.indirect_vreg.gather [hbm4b:s1+s3], $0x80, v4, vm0, $0xb8;
	[tilespmem:$0xD100] =	vst v63  }
0x4c: {  	_ = 	snop  }
0x4d: {  	[tilespmem:s16], [sflag:$0x1] =	stream.indirect_vreg.gather [hbm4b:s1+s3], $0x80, v3, vm0, $0xb8;
	[tilespmem:$0xD100] =	vst v63  }
0x4e: {  	v3 =	vld [tilespmem:$0x50];
	_ =	sdelay $0x4  }
0x4f: {  	v30 =	vshll.u32 v3, $0x1  }
0x50: {  	v3 =	vand.u32 $0x7, v3;
	v4 =	vand.u32 $0xFFFFFFF0, v30  }
0x51: {  	v3 =	vor.u32 v3, v4  }
0x52: {  	v4 =	vperm.xlane v3, v0;
	_ =	sdelay $0x1  }
0x53: {  	v3 =	vperm.xlane v3, v2;
	v4 =	vadd.s32 v1, v4;
	_ =	sdelay $0x1  }
0x54: {  	v3 =	vadd.s32 v1, v3;
	_ =	sdelay $0x2  }
0x55: {  	[tilespmem:s17], [sflag:$0x1] =	stream.indirect_vreg.gather [hbm4b:s1+s3], $0x80, v4, vm0, $0xb8;
	[tilespmem:$0xD100] =	vst v63  }
0x56: {  	_ = 	snop  }
0x57: {  	[tilespmem:s18], [sflag:$0x1] =	stream.indirect_vreg.gather [hbm4b:s1+s3], $0x80, v3, vm0, $0xb8;
	[tilespmem:$0xD100] =	vst v63  }
0x58: {  	v3 =	vld [tilespmem:$0x60];
	_ =	sdelay $0x4  }
0x59: {  	v31 =	vshll.u32 v3, $0x1  }
0x5a: {  	v3 =	vand.u32 $0x7, v3;
	v4 =	vand.u32 $0xFFFFFFF0, v31  }
0x5b: {  	v3 =	vor.u32 v3, v4  }
0x5c: {  	v4 =	vperm.xlane v3, v0;
	_ =	sdelay $0x1  }
0x5d: {  	v3 =	vperm.xlane v3, v2;
	v4 =	vadd.s32 v1, v4;
	_ =	sdelay $0x1  }
0x5e: {  	v3 =	vadd.s32 v1, v3;
	_ =	sdelay $0x2  }
0x5f: {  	[tilespmem:s19], [sflag:$0x1] =	stream.indirect_vreg.gather [hbm4b:s1+s3], $0x80, v4, vm0, $0xb8;
	[tilespmem:$0xD100] =	vst v63  }
0x60: {  	_ = 	snop  }
0x61: {  	[tilespmem:s20], [sflag:$0x1] =	stream.indirect_vreg.gather [hbm4b:s1+s3], $0x80, v3, vm0, $0xb8;
	[tilespmem:$0xD100] =	vst v63  }
0x62: {  	v3 =	vld [tilespmem:$0x70];
	_ =	sdelay $0x4  }
0x63: {  	v32 =	vshll.u32 v3, $0x1  }
0x64: {  	v3 =	vand.u32 $0x7, v3;
	v4 =	vand.u32 $0xFFFFFFF0, v32  }
0x65: {  	v3 =	vor.u32 v3, v4  }
0x66: {  	v4 =	vperm.xlane v3, v0;
	_ =	sdelay $0x1  }
0x67: {  	v3 =	vperm.xlane v3, v2;
	v4 =	vadd.s32 v1, v4;
	_ =	sdelay $0x1  }
0x68: {  	v3 =	vadd.s32 v1, v3;
	_ =	sdelay $0x2  }
0x69: {  	[tilespmem:s21], [sflag:$0x1] =	stream.indirect_vreg.gather [hbm4b:s1+s3], $0x80, v4, vm0, $0xb8;
	[tilespmem:$0xD100] =	vst v63  }
0x6a: {  	_ = 	snop  }
0x6b: {  	[tilespmem:s22], [sflag:$0x1] =	stream.indirect_vreg.gather [hbm4b:s1+s3], $0x80, v3, vm0, $0xb8;
	[tilespmem:$0xD100] =	vst v63  }
0x6c: {  	v3 =	vld [tilespmem:$0x80];
	_ =	sdelay $0x4  }
0x6d: {  	v33 =	vshll.u32 v3, $0x1  }
0x6e: {  	v3 =	vand.u32 $0x7, v3;
	v4 =	vand.u32 $0xFFFFFFF0, v33  }
0x6f: {  	v3 =	vor.u32 v3, v4  }
0x70: {  	v4 =	vperm.xlane v3, v0;
	_ =	sdelay $0x1  }
0x71: {  	v3 =	vperm.xlane v3, v2;
	v4 =	vadd.s32 v1, v4;
	_ =	sdelay $0x1  }
0x72: {  	v3 =	vadd.s32 v1, v3;
	_ =	sdelay $0x2  }
0x73: {  	[tilespmem:s23], [sflag:$0x1] =	stream.indirect_vreg.gather [hbm4b:s1+s3], $0x80, v4, vm0, $0xb8;
	[tilespmem:$0xD100] =	vst v63  }
0x74: {  	_ = 	snop  }
0x75: {  	[tilespmem:s24], [sflag:$0x1] =	stream.indirect_vreg.gather [hbm4b:s1+s3], $0x80, v3, vm0, $0xb8;
	[tilespmem:$0xD100] =	vst v63  }
0x76: {  	v3 =	vld [tilespmem:$0x90];
	_ =	sdelay $0x4  }
0x77: {  	v34 =	vshll.u32 v3, $0x1  }
0x78: {  	v3 =	vand.u32 $0x7, v3;
	v4 =	vand.u32 $0xFFFFFFF0, v34  }
0x79: {  	v3 =	vor.u32 v3, v4  }
0x7a: {  	v4 =	vperm.xlane v3, v0;
	_ =	sdelay $0x1  }
0x7b: {  	v3 =	vperm.xlane v3, v2;
	v4 =	vadd.s32 v1, v4;
	_ =	sdelay $0x1  }
0x7c: {  	v3 =	vadd.s32 v1, v3;
	_ =	sdelay $0x2  }
0x7d: {  	[tilespmem:s25], [sflag:$0x1] =	stream.indirect_vreg.gather [hbm4b:s1+s3], $0x80, v4, vm0, $0xb8;
	[tilespmem:$0xD100] =	vst v63  }
0x7e: {  	_ = 	snop  }
0x7f: {  	[tilespmem:s26], [sflag:$0x1] =	stream.indirect_vreg.gather [hbm4b:s1+s3], $0x80, v3, vm0, $0xb8;
	[tilespmem:$0xD100] =	vst v63  }
0x80: {  	v3 =	vld [tilespmem:$0xA0];
	_ =	sdelay $0x4  }
0x81: {  	v35 =	vshll.u32 v3, $0x1  }
0x82: {  	v3 =	vand.u32 $0x7, v3;
	v4 =	vand.u32 $0xFFFFFFF0, v35  }
0x83: {  	v3 =	vor.u32 v3, v4  }
0x84: {  	v4 =	vperm.xlane v3, v0;
	_ =	sdelay $0x1  }
0x85: {  	v3 =	vperm.xlane v3, v2;
	v4 =	vadd.s32 v1, v4;
	_ =	sdelay $0x1  }
0x86: {  	v3 =	vadd.s32 v1, v3;
	_ =	sdelay $0x2  }
0x87: {  	[tilespmem:s28], [sflag:$0x1] =	stream.indirect_vreg.gather [hbm4b:s1+s3], $0x80, v4, vm0, $0xb8;
	[tilespmem:$0xD100] =	vst v63  }
0x88: {  	_ = 	snop  }
0x89: {  	[tilespmem:s29], [sflag:$0x1] =	stream.indirect_vreg.gather [hbm4b:s1+s3], $0x80, v3, vm0, $0xb8;
	[tilespmem:$0xD100] =	vst v63  }
0x8a: {  	v3 =	vld [tilespmem:$0xB0];
	_ =	sdelay $0x4  }
0x8b: {  	v36 =	vshll.u32 v3, $0x1  }
0x8c: {  	v3 =	vand.u32 $0x7, v3;
	v4 =	vand.u32 $0xFFFFFFF0, v36  }
0x8d: {  	v3 =	vor.u32 v3, v4  }
0x8e: {  	v4 =	vperm.xlane v3, v0;
	_ =	sdelay $0x1  }
0x8f: {  	v3 =	vperm.xlane v3, v2;
	v4 =	vadd.s32 v1, v4;
	_ =	sdelay $0x1  }
0x90: {  	v3 =	vadd.s32 v1, v3;
	_ =	sdelay $0x2  }
0x91: {  	[tilespmem:s30], [sflag:$0x1] =	stream.indirect_vreg.gather [hbm4b:s1+s3], $0x80, v4, vm0, $0xb8;
	[tilespmem:$0xD100] =	vst v63  }
0x92: {  	_ = 	snop  }
0x93: {  	[tilespmem:s31], [sflag:$0x1] =	stream.indirect_vreg.gather [hbm4b:s1+s3], $0x80, v3, vm0, $0xb8;
	[tilespmem:$0xD100] =	vst v63  }
0x94: {  	v3 =	vld [tilespmem:$0xC0];
	_ =	sdelay $0x4  }
0x95: {  	v37 =	vshll.u32 v3, $0x1  }
0x96: {  	v3 =	vand.u32 $0x7, v3;
	v4 =	vand.u32 $0xFFFFFFF0, v37  }
0x97: {  	v3 =	vor.u32 v3, v4  }
0x98: {  	v4 =	vperm.xlane v3, v0;
	_ =	sdelay $0x1  }
0x99: {  	v3 =	vperm.xlane v3, v2;
	v4 =	vadd.s32 v1, v4;
	_ =	sdelay $0x1  }
0x9a: {  	v3 =	vadd.s32 v1, v3;
	_ =	sdelay $0x1  }
0x9b: {  	s6 =	simm.s32 $0xC100  }
0x9c: {  	[tilespmem:s6], [sflag:$0x1] =	stream.indirect_vreg.gather [hbm4b:s1+s3], $0x80, v4, vm0, $0xb8;
	[tilespmem:$0xD100] =	vst v63  }
0x9d: {  	s6 =	simm.s32 $0xC900  }
0x9e: {  	[tilespmem:s6], [sflag:$0x1] =	stream.indirect_vreg.gather [hbm4b:s1+s3], $0x80, v3, vm0, $0xb8;
	[tilespmem:$0xD100] =	vst v63  }
0x9f: {  	_ =	swait.ge [sflag:s0], $0xD000  }
0xa0: {  	[sflag:s0] =	ssyncset.done $0x0  }
0xa1: {  	s7 =	rddreg [dreg:$0x5];
	[sflag:s0] =	ssyncadd.s32 $0xFFFF3000  }
0xa2: {  	[hbm4b:s7+s3] =	stream.linear.scatter [tilespmem:s2], [sflag:$0x2], $0xD000, $0x38;
	[tilespmem:$0xD100] =	vst v63  }
0xa3: {  	_ =	swait.ge [sflag:s5], $0xD000  }
0xa4: {  	[sflag:s5] =	ssyncset.done $0x0  }
0xa5: {  	s7 =	rddreg [dreg:$0x6];
	[sflag:s5] =	ssyncadd.s32 $0xFFFF3000  }
0xa6: {  	[tilespmem:s3], [sflag:$0x2] =	stream.linear.gather [hbm4b:s7+s3], $0xD0, $0x38;
	[tilespmem:$0xD100] =	vst v63  }
0xa7: {  	_ =	swait.ge [sflag:s5], $0xD0  }
0xa8: {  	[sflag:s5] =	ssyncset.done $0x0  }
0xa9: {  	[sflag:s5] =	ssyncadd.s32 $0xFFFFFF30  }
0xaa: {  	v3 =	vld [tilespmem:$0x0];
	_ =	sdelay $0x4  }
0xab: {  	v38 =	vshll.u32 v3, $0x1  }
0xac: {  	v3 =	vand.u32 $0x7, v3;
	v4 =	vand.u32 $0xFFFFFFF0, v38  }
0xad: {  	v3 =	vor.u32 v3, v4  }
0xae: {  	v4 =	vperm.xlane v3, v0;
	_ =	sdelay $0x1  }
0xaf: {  	v3 =	vperm.xlane v3, v2;
	v4 =	vadd.s32 v1, v4;
	_ =	sdelay $0x1  }
0xb0: {  	v3 =	vadd.s32 v1, v3;
	_ =	sdelay $0x2  }
0xb1: {  	[tilespmem:s2], [sflag:$0x1] =	stream.indirect_vreg.gather [hbm4b:s1+s3], $0x80, v4, vm0, $0xb8;
	[tilespmem:$0xD100] =	vst v63  }
0xb2: {  	_ = 	snop  }
0xb3: {  	[tilespmem:s8], [sflag:$0x1] =	stream.indirect_vreg.gather [hbm4b:s1+s3], $0x80, v3, vm0, $0xb8;
	[tilespmem:$0xD100] =	vst v63  }
0xb4: {  	v3 =	vld [tilespmem:$0x10];
	_ =	sdelay $0x4  }
0xb5: {  	v39 =	vshll.u32 v3, $0x1  }
0xb6: {  	v3 =	vand.u32 $0x7, v3;
	v4 =	vand.u32 $0xFFFFFFF0, v39  }
0xb7: {  	v3 =	vor.u32 v3, v4  }
0xb8: {  	v4 =	vperm.xlane v3, v0;
	_ =	sdelay $0x1  }
0xb9: {  	v3 =	vperm.xlane v3, v2;
	v4 =	vadd.s32 v1, v4;
	_ =	sdelay $0x1  }
0xba: {  	v3 =	vadd.s32 v1, v3;
	_ =	sdelay $0x2  }
0xbb: {  	[tilespmem:s9], [sflag:$0x1] =	stream.indirect_vreg.gather [hbm4b:s1+s3], $0x80, v4, vm0, $0xb8;
	[tilespmem:$0xD100] =	vst v63  }
0xbc: {  	_ = 	snop  }
0xbd: {  	[tilespmem:s10], [sflag:$0x1] =	stream.indirect_vreg.gather [hbm4b:s1+s3], $0x80, v3, vm0, $0xb8;
	[tilespmem:$0xD100] =	vst v63  }
0xbe: {  	v3 =	vld [tilespmem:$0x20];
	_ =	sdelay $0x4  }
0xbf: {  	v40 =	vshll.u32 v3, $0x1  }
0xc0: {  	v3 =	vand.u32 $0x7, v3;
	v4 =	vand.u32 $0xFFFFFFF0, v40  }
0xc1: {  	v3 =	vor.u32 v3, v4  }
0xc2: {  	v4 =	vperm.xlane v3, v0;
	_ =	sdelay $0x1  }
0xc3: {  	v3 =	vperm.xlane v3, v2;
	v4 =	vadd.s32 v1, v4;
	_ =	sdelay $0x1  }
0xc4: {  	v3 =	vadd.s32 v1, v3;
	_ =	sdelay $0x2  }
0xc5: {  	[tilespmem:s11], [sflag:$0x1] =	stream.indirect_vreg.gather [hbm4b:s1+s3], $0x80, v4, vm0, $0xb8;
	[tilespmem:$0xD100] =	vst v63  }
0xc6: {  	_ = 	snop  }
0xc7: {  	[tilespmem:s12], [sflag:$0x1] =	stream.indirect_vreg.gather [hbm4b:s1+s3], $0x80, v3, vm0, $0xb8;
	[tilespmem:$0xD100] =	vst v63  }
0xc8: {  	v3 =	vld [tilespmem:$0x30];
	_ =	sdelay $0x4  }
0xc9: {  	v41 =	vshll.u32 v3, $0x1  }
0xca: {  	v3 =	vand.u32 $0x7, v3;
	v4 =	vand.u32 $0xFFFFFFF0, v41  }
0xcb: {  	v3 =	vor.u32 v3, v4  }
0xcc: {  	v4 =	vperm.xlane v3, v0;
	_ =	sdelay $0x1  }
0xcd: {  	v3 =	vperm.xlane v3, v2;
	v4 =	vadd.s32 v1, v4;
	_ =	sdelay $0x1  }
0xce: {  	v3 =	vadd.s32 v1, v3;
	_ =	sdelay $0x2  }
0xcf: {  	[tilespmem:s13], [sflag:$0x1] =	stream.indirect_vreg.gather [hbm4b:s1+s3], $0x80, v4, vm0, $0xb8;
	[tilespmem:$0xD100] =	vst v63  }
0xd0: {  	_ = 	snop  }
0xd1: {  	[tilespmem:s14], [sflag:$0x1] =	stream.indirect_vreg.gather [hbm4b:s1+s3], $0x80, v3, vm0, $0xb8;
	[tilespmem:$0xD100] =	vst v63  }
0xd2: {  	v3 =	vld [tilespmem:$0x40];
	_ =	sdelay $0x4  }
0xd3: {  	v42 =	vshll.u32 v3, $0x1  }
0xd4: {  	v3 =	vand.u32 $0x7, v3;
	v4 =	vand.u32 $0xFFFFFFF0, v42  }
0xd5: {  	v3 =	vor.u32 v3, v4  }
0xd6: {  	v4 =	vperm.xlane v3, v0;
	_ =	sdelay $0x1  }
0xd7: {  	v3 =	vperm.xlane v3, v2;
	v4 =	vadd.s32 v1, v4;
	_ =	sdelay $0x1  }
0xd8: {  	v3 =	vadd.s32 v1, v3;
	_ =	sdelay $0x2  }
0xd9: {  	[tilespmem:s15], [sflag:$0x1] =	stream.indirect_vreg.gather [hbm4b:s1+s3], $0x80, v4, vm0, $0xb8;
	[tilespmem:$0xD100] =	vst v63  }
0xda: {  	_ = 	snop  }
0xdb: {  	[tilespmem:s16], [sflag:$0x1] =	stream.indirect_vreg.gather [hbm4b:s1+s3], $0x80, v3, vm0, $0xb8;
	[tilespmem:$0xD100] =	vst v63  }
0xdc: {  	v3 =	vld [tilespmem:$0x50];
	_ =	sdelay $0x4  }
0xdd: {  	v43 =	vshll.u32 v3, $0x1  }
0xde: {  	v3 =	vand.u32 $0x7, v3;
	v4 =	vand.u32 $0xFFFFFFF0, v43  }
0xdf: {  	v3 =	vor.u32 v3, v4  }
0xe0: {  	v4 =	vperm.xlane v3, v0;
	_ =	sdelay $0x1  }
0xe1: {  	v3 =	vperm.xlane v3, v2;
	v4 =	vadd.s32 v1, v4;
	_ =	sdelay $0x1  }
0xe2: {  	v3 =	vadd.s32 v1, v3;
	_ =	sdelay $0x2  }
0xe3: {  	[tilespmem:s17], [sflag:$0x1] =	stream.indirect_vreg.gather [hbm4b:s1+s3], $0x80, v4, vm0, $0xb8;
	[tilespmem:$0xD100] =	vst v63  }
0xe4: {  	_ = 	snop  }
0xe5: {  	[tilespmem:s18], [sflag:$0x1] =	stream.indirect_vreg.gather [hbm4b:s1+s3], $0x80, v3, vm0, $0xb8;
	[tilespmem:$0xD100] =	vst v63  }
0xe6: {  	v3 =	vld [tilespmem:$0x60];
	_ =	sdelay $0x4  }
0xe7: {  	v44 =	vshll.u32 v3, $0x1  }
0xe8: {  	v3 =	vand.u32 $0x7, v3;
	v4 =	vand.u32 $0xFFFFFFF0, v44  }
0xe9: {  	v3 =	vor.u32 v3, v4  }
0xea: {  	v4 =	vperm.xlane v3, v0;
	_ =	sdelay $0x1  }
0xeb: {  	v3 =	vperm.xlane v3, v2;
	v4 =	vadd.s32 v1, v4;
	_ =	sdelay $0x1  }
0xec: {  	v3 =	vadd.s32 v1, v3;
	_ =	sdelay $0x2  }
0xed: {  	[tilespmem:s19], [sflag:$0x1] =	stream.indirect_vreg.gather [hbm4b:s1+s3], $0x80, v4, vm0, $0xb8;
	[tilespmem:$0xD100] =	vst v63  }
0xee: {  	_ = 	snop  }
0xef: {  	[tilespmem:s20], [sflag:$0x1] =	stream.indirect_vreg.gather [hbm4b:s1+s3], $0x80, v3, vm0, $0xb8;
	[tilespmem:$0xD100] =	vst v63  }
0xf0: {  	v3 =	vld [tilespmem:$0x70];
	_ =	sdelay $0x4  }
0xf1: {  	v45 =	vshll.u32 v3, $0x1  }
0xf2: {  	v3 =	vand.u32 $0x7, v3;
	v4 =	vand.u32 $0xFFFFFFF0, v45  }
0xf3: {  	v3 =	vor.u32 v3, v4  }
0xf4: {  	v4 =	vperm.xlane v3, v0;
	_ =	sdelay $0x1  }
0xf5: {  	v3 =	vperm.xlane v3, v2;
	v4 =	vadd.s32 v1, v4;
	_ =	sdelay $0x1  }
0xf6: {  	v3 =	vadd.s32 v1, v3;
	_ =	sdelay $0x2  }
0xf7: {  	[tilespmem:s21], [sflag:$0x1] =	stream.indirect_vreg.gather [hbm4b:s1+s3], $0x80, v4, vm0, $0xb8;
	[tilespmem:$0xD100] =	vst v63  }
0xf8: {  	_ = 	snop  }
0xf9: {  	[tilespmem:s22], [sflag:$0x1] =	stream.indirect_vreg.gather [hbm4b:s1+s3], $0x80, v3, vm0, $0xb8;
	[tilespmem:$0xD100] =	vst v63  }
0xfa: {  	v3 =	vld [tilespmem:$0x80];
	_ =	sdelay $0x4  }
0xfb: {  	v46 =	vshll.u32 v3, $0x1  }
0xfc: {  	v3 =	vand.u32 $0x7, v3;
	v4 =	vand.u32 $0xFFFFFFF0, v46  }
0xfd: {  	v3 =	vor.u32 v3, v4  }
0xfe: {  	v4 =	vperm.xlane v3, v0;
	_ =	sdelay $0x1  }
0xff: {  	v3 =	vperm.xlane v3, v2;
	v4 =	vadd.s32 v1, v4;
	_ =	sdelay $0x1  }
0x100: {  	v3 =	vadd.s32 v1, v3;
	_ =	sdelay $0x2  }
0x101: {  	[tilespmem:s23], [sflag:$0x1] =	stream.indirect_vreg.gather [hbm4b:s1+s3], $0x80, v4, vm0, $0xb8;
	[tilespmem:$0xD100] =	vst v63  }
0x102: {  	_ = 	snop  }
0x103: {  	[tilespmem:s24], [sflag:$0x1] =	stream.indirect_vreg.gather [hbm4b:s1+s3], $0x80, v3, vm0, $0xb8;
	[tilespmem:$0xD100] =	vst v63  }
0x104: {  	v3 =	vld [tilespmem:$0x90];
	_ =	sdelay $0x4  }
0x105: {  	v47 =	vshll.u32 v3, $0x1  }
0x106: {  	v3 =	vand.u32 $0x7, v3;
	v4 =	vand.u32 $0xFFFFFFF0, v47  }
0x107: {  	v3 =	vor.u32 v3, v4  }
0x108: {  	v4 =	vperm.xlane v3, v0;
	_ =	sdelay $0x1  }
0x109: {  	v3 =	vperm.xlane v3, v2;
	v4 =	vadd.s32 v1, v4;
	_ =	sdelay $0x1  }
0x10a: {  	v3 =	vadd.s32 v1, v3;
	_ =	sdelay $0x2  }
0x10b: {  	[tilespmem:s25], [sflag:$0x1] =	stream.indirect_vreg.gather [hbm4b:s1+s3], $0x80, v4, vm0, $0xb8;
	[tilespmem:$0xD100] =	vst v63  }
0x10c: {  	_ = 	snop  }
0x10d: {  	[tilespmem:s26], [sflag:$0x1] =	stream.indirect_vreg.gather [hbm4b:s1+s3], $0x80, v3, vm0, $0xb8;
	[tilespmem:$0xD100] =	vst v63  }
0x10e: {  	v3 =	vld [tilespmem:$0xA0];
	_ =	sdelay $0x4  }
0x10f: {  	v48 =	vshll.u32 v3, $0x1  }
0x110: {  	v3 =	vand.u32 $0x7, v3;
	v4 =	vand.u32 $0xFFFFFFF0, v48  }
0x111: {  	v3 =	vor.u32 v3, v4  }
0x112: {  	v4 =	vperm.xlane v3, v0;
	_ =	sdelay $0x1  }
0x113: {  	v3 =	vperm.xlane v3, v2;
	v4 =	vadd.s32 v1, v4;
	_ =	sdelay $0x1  }
0x114: {  	v3 =	vadd.s32 v1, v3;
	_ =	sdelay $0x2  }
0x115: {  	[tilespmem:s28], [sflag:$0x1] =	stream.indirect_vreg.gather [hbm4b:s1+s3], $0x80, v4, vm0, $0xb8;
	[tilespmem:$0xD100] =	vst v63  }
0x116: {  	_ = 	snop  }
0x117: {  	[tilespmem:s29], [sflag:$0x1] =	stream.indirect_vreg.gather [hbm4b:s1+s3], $0x80, v3, vm0, $0xb8;
	[tilespmem:$0xD100] =	vst v63  }
0x118: {  	v3 =	vld [tilespmem:$0xB0];
	_ =	sdelay $0x4  }
0x119: {  	v49 =	vshll.u32 v3, $0x1  }
0x11a: {  	v3 =	vand.u32 $0x7, v3;
	v4 =	vand.u32 $0xFFFFFFF0, v49  }
0x11b: {  	v3 =	vor.u32 v3, v4  }
0x11c: {  	v4 =	vperm.xlane v3, v0;
	_ =	sdelay $0x1  }
0x11d: {  	v3 =	vperm.xlane v3, v2;
	v4 =	vadd.s32 v1, v4;
	_ =	sdelay $0x1  }
0x11e: {  	v3 =	vadd.s32 v1, v3;
	_ =	sdelay $0x2  }
0x11f: {  	[tilespmem:s30], [sflag:$0x1] =	stream.indirect_vreg.gather [hbm4b:s1+s3], $0x80, v4, vm0, $0xb8;
	[tilespmem:$0xD100] =	vst v63  }
0x120: {  	_ = 	snop  }
0x121: {  	[tilespmem:s31], [sflag:$0x1] =	stream.indirect_vreg.gather [hbm4b:s1+s3], $0x80, v3, vm0, $0xb8;
	[tilespmem:$0xD100] =	vst v63  }
0x122: {  	v3 =	vld [tilespmem:$0xC0];
	_ =	sdelay $0x4  }
0x123: {  	v50 =	vshll.u32 v3, $0x1  }
0x124: {  	v3 =	vand.u32 $0x7, v3;
	v4 =	vand.u32 $0xFFFFFFF0, v50  }
0x125: {  	v3 =	vor.u32 v3, v4  }
0x126: {  	v4 =	vperm.xlane v3, v0;
	_ =	sdelay $0x1  }
0x127: {  	v3 =	vperm.xlane v3, v2;
	v4 =	vadd.s32 v1, v4;
	_ =	sdelay $0x1  }
0x128: {  	v3 =	vadd.s32 v1, v3;
	_ =	sdelay $0x1  }
0x129: {  	s7 =	simm.s32 $0xC100  }
0x12a: {  	[tilespmem:s7], [sflag:$0x1] =	stream.indirect_vreg.gather [hbm4b:s1+s3], $0x80, v4, vm0, $0xb8;
	[tilespmem:$0xD100] =	vst v63  }
0x12b: {  	_ = 	snop  }
0x12c: {  	[tilespmem:s6], [sflag:$0x1] =	stream.indirect_vreg.gather [hbm4b:s1+s3], $0x80, v3, vm0, $0xb8;
	[tilespmem:$0xD100] =	vst v63  }
0x12d: {  	_ =	swait.ge [sflag:s0], $0xD000  }
0x12e: {  	[sflag:s0] =	ssyncset.done $0x0  }
0x12f: {  	s7 =	rddreg [dreg:$0x7];
	[sflag:s0] =	ssyncadd.s32 $0xFFFF3000  }
0x130: {  	[hbm4b:s7+s3] =	stream.linear.scatter [tilespmem:s2], [sflag:$0x2], $0xD000, $0x38;
	[tilespmem:$0xD100] =	vst v63  }
0x131: {  	_ =	swait.ge [sflag:s5], $0xD000  }
0x132: {  	[sflag:s5] =	ssyncset.done $0x0  }
0x133: {  	s7 =	rddreg [dreg:$0x8];
	[sflag:s5] =	ssyncadd.s32 $0xFFFF3000  }
0x134: {  	[tilespmem:s3], [sflag:$0x2] =	stream.linear.gather [hbm4b:s7+s3], $0xD0, $0x38;
	[tilespmem:$0xD100] =	vst v63  }
0x135: {  	_ =	swait.ge [sflag:s5], $0xD0  }
0x136: {  	[sflag:s5] =	ssyncset.done $0x0  }
0x137: {  	[sflag:s5] =	ssyncadd.s32 $0xFFFFFF30  }
0x138: {  	v3 =	vld [tilespmem:$0x0];
	_ =	sdelay $0x4  }
0x139: {  	v51 =	vshll.u32 v3, $0x1  }
0x13a: {  	v3 =	vand.u32 $0x7, v3;
	v4 =	vand.u32 $0xFFFFFFF0, v51  }
0x13b: {  	v3 =	vor.u32 v3, v4  }
0x13c: {  	v4 =	vperm.xlane v3, v0;
	_ =	sdelay $0x1  }
0x13d: {  	v3 =	vperm.xlane v3, v2;
	v4 =	vadd.s32 v1, v4;
	_ =	sdelay $0x1  }
0x13e: {  	v3 =	vadd.s32 v1, v3;
	_ =	sdelay $0x2  }
0x13f: {  	[tilespmem:s2], [sflag:$0x1] =	stream.indirect_vreg.gather [hbm4b:s1+s3], $0x80, v4, vm0, $0xb8;
	[tilespmem:$0xD100] =	vst v63  }
0x140: {  	_ = 	snop  }
0x141: {  	[tilespmem:s8], [sflag:$0x1] =	stream.indirect_vreg.gather [hbm4b:s1+s3], $0x80, v3, vm0, $0xb8;
	[tilespmem:$0xD100] =	vst v63  }
0x142: {  	v3 =	vld [tilespmem:$0x10];
	_ =	sdelay $0x4  }
0x143: {  	v52 =	vshll.u32 v3, $0x1  }
0x144: {  	v3 =	vand.u32 $0x7, v3;
	v4 =	vand.u32 $0xFFFFFFF0, v52  }
0x145: {  	v3 =	vor.u32 v3, v4  }
0x146: {  	v4 =	vperm.xlane v3, v0;
	_ =	sdelay $0x1  }
0x147: {  	v3 =	vperm.xlane v3, v2;
	v4 =	vadd.s32 v1, v4;
	_ =	sdelay $0x1  }
0x148: {  	v3 =	vadd.s32 v1, v3;
	_ =	sdelay $0x2  }
0x149: {  	[tilespmem:s9], [sflag:$0x1] =	stream.indirect_vreg.gather [hbm4b:s1+s3], $0x80, v4, vm0, $0xb8;
	[tilespmem:$0xD100] =	vst v63  }
0x14a: {  	_ = 	snop  }
0x14b: {  	[tilespmem:s10], [sflag:$0x1] =	stream.indirect_vreg.gather [hbm4b:s1+s3], $0x80, v3, vm0, $0xb8;
	[tilespmem:$0xD100] =	vst v63  }
0x14c: {  	v3 =	vld [tilespmem:$0x20];
	_ =	sdelay $0x4  }
0x14d: {  	v53 =	vshll.u32 v3, $0x1  }
0x14e: {  	v3 =	vand.u32 $0x7, v3;
	v4 =	vand.u32 $0xFFFFFFF0, v53  }
0x14f: {  	v3 =	vor.u32 v3, v4  }
0x150: {  	v4 =	vperm.xlane v3, v0;
	_ =	sdelay $0x1  }
0x151: {  	v3 =	vperm.xlane v3, v2;
	v4 =	vadd.s32 v1, v4;
	_ =	sdelay $0x1  }
0x152: {  	v3 =	vadd.s32 v1, v3;
	_ =	sdelay $0x2  }
0x153: {  	[tilespmem:s11], [sflag:$0x1] =	stream.indirect_vreg.gather [hbm4b:s1+s3], $0x80, v4, vm0, $0xb8;
	[tilespmem:$0xD100] =	vst v63  }
0x154: {  	_ = 	snop  }
0x155: {  	[tilespmem:s12], [sflag:$0x1] =	stream.indirect_vreg.gather [hbm4b:s1+s3], $0x80, v3, vm0, $0xb8;
	[tilespmem:$0xD100] =	vst v63  }
0x156: {  	v3 =	vld [tilespmem:$0x30];
	_ =	sdelay $0x4  }
0x157: {  	v54 =	vshll.u32 v3, $0x1  }
0x158: {  	v3 =	vand.u32 $0x7, v3;
	v4 =	vand.u32 $0xFFFFFFF0, v54  }
0x159: {  	v3 =	vor.u32 v3, v4  }
0x15a: {  	v4 =	vperm.xlane v3, v0;
	_ =	sdelay $0x1  }
0x15b: {  	v3 =	vperm.xlane v3, v2;
	v4 =	vadd.s32 v1, v4;
	_ =	sdelay $0x1  }
0x15c: {  	v3 =	vadd.s32 v1, v3;
	_ =	sdelay $0x2  }
0x15d: {  	[tilespmem:s13], [sflag:$0x1] =	stream.indirect_vreg.gather [hbm4b:s1+s3], $0x80, v4, vm0, $0xb8;
	[tilespmem:$0xD100] =	vst v63  }
0x15e: {  	_ = 	snop  }
0x15f: {  	[tilespmem:s14], [sflag:$0x1] =	stream.indirect_vreg.gather [hbm4b:s1+s3], $0x80, v3, vm0, $0xb8;
	[tilespmem:$0xD100] =	vst v63  }
0x160: {  	v3 =	vld [tilespmem:$0x40];
	_ =	sdelay $0x4  }
0x161: {  	v55 =	vshll.u32 v3, $0x1  }
0x162: {  	v3 =	vand.u32 $0x7, v3;
	v4 =	vand.u32 $0xFFFFFFF0, v55  }
0x163: {  	v3 =	vor.u32 v3, v4  }
0x164: {  	v4 =	vperm.xlane v3, v0;
	_ =	sdelay $0x1  }
0x165: {  	v3 =	vperm.xlane v3, v2;
	v4 =	vadd.s32 v1, v4;
	_ =	sdelay $0x1  }
0x166: {  	v3 =	vadd.s32 v1, v3;
	_ =	sdelay $0x2  }
0x167: {  	[tilespmem:s15], [sflag:$0x1] =	stream.indirect_vreg.gather [hbm4b:s1+s3], $0x80, v4, vm0, $0xb8;
	[tilespmem:$0xD100] =	vst v63  }
0x168: {  	_ = 	snop  }
0x169: {  	[tilespmem:s16], [sflag:$0x1] =	stream.indirect_vreg.gather [hbm4b:s1+s3], $0x80, v3, vm0, $0xb8;
	[tilespmem:$0xD100] =	vst v63  }
0x16a: {  	v3 =	vld [tilespmem:$0x50];
	_ =	sdelay $0x4  }
0x16b: {  	v56 =	vshll.u32 v3, $0x1  }
0x16c: {  	v3 =	vand.u32 $0x7, v3;
	v4 =	vand.u32 $0xFFFFFFF0, v56  }
0x16d: {  	v3 =	vor.u32 v3, v4  }
0x16e: {  	v4 =	vperm.xlane v3, v0;
	_ =	sdelay $0x1  }
0x16f: {  	v3 =	vperm.xlane v3, v2;
	v4 =	vadd.s32 v1, v4;
	_ =	sdelay $0x1  }
0x170: {  	v3 =	vadd.s32 v1, v3;
	_ =	sdelay $0x2  }
0x171: {  	[tilespmem:s17], [sflag:$0x1] =	stream.indirect_vreg.gather [hbm4b:s1+s3], $0x80, v4, vm0, $0xb8;
	[tilespmem:$0xD100] =	vst v63  }
0x172: {  	_ = 	snop  }
0x173: {  	[tilespmem:s18], [sflag:$0x1] =	stream.indirect_vreg.gather [hbm4b:s1+s3], $0x80, v3, vm0, $0xb8;
	[tilespmem:$0xD100] =	vst v63  }
0x174: {  	v3 =	vld [tilespmem:$0x60];
	_ =	sdelay $0x4  }
0x175: {  	v57 =	vshll.u32 v3, $0x1  }
0x176: {  	v3 =	vand.u32 $0x7, v3;
	v4 =	vand.u32 $0xFFFFFFF0, v57  }
0x177: {  	v3 =	vor.u32 v3, v4  }
0x178: {  	v4 =	vperm.xlane v3, v0;
	_ =	sdelay $0x1  }
0x179: {  	v3 =	vperm.xlane v3, v2;
	v4 =	vadd.s32 v1, v4;
	_ =	sdelay $0x1  }
0x17a: {  	v3 =	vadd.s32 v1, v3;
	_ =	sdelay $0x2  }
0x17b: {  	[tilespmem:s19], [sflag:$0x1] =	stream.indirect_vreg.gather [hbm4b:s1+s3], $0x80, v4, vm0, $0xb8;
	[tilespmem:$0xD100] =	vst v63  }
0x17c: {  	_ = 	snop  }
0x17d: {  	[tilespmem:s20], [sflag:$0x1] =	stream.indirect_vreg.gather [hbm4b:s1+s3], $0x80, v3, vm0, $0xb8;
	[tilespmem:$0xD100] =	vst v63  }
0x17e: {  	v3 =	vld [tilespmem:$0x70];
	_ =	sdelay $0x4  }
0x17f: {  	v58 =	vshll.u32 v3, $0x1  }
0x180: {  	v3 =	vand.u32 $0x7, v3;
	v4 =	vand.u32 $0xFFFFFFF0, v58  }
0x181: {  	v3 =	vor.u32 v3, v4  }
0x182: {  	v4 =	vperm.xlane v3, v0;
	_ =	sdelay $0x1  }
0x183: {  	v3 =	vperm.xlane v3, v2;
	v4 =	vadd.s32 v1, v4;
	_ =	sdelay $0x1  }
0x184: {  	v3 =	vadd.s32 v1, v3;
	_ =	sdelay $0x2  }
0x185: {  	[tilespmem:s21], [sflag:$0x1] =	stream.indirect_vreg.gather [hbm4b:s1+s3], $0x80, v4, vm0, $0xb8;
	[tilespmem:$0xD100] =	vst v63  }
0x186: {  	_ = 	snop  }
0x187: {  	[tilespmem:s22], [sflag:$0x1] =	stream.indirect_vreg.gather [hbm4b:s1+s3], $0x80, v3, vm0, $0xb8;
	[tilespmem:$0xD100] =	vst v63  }
0x188: {  	v3 =	vld [tilespmem:$0x80];
	_ =	sdelay $0x4  }
0x189: {  	v59 =	vshll.u32 v3, $0x1  }
0x18a: {  	v3 =	vand.u32 $0x7, v3;
	v4 =	vand.u32 $0xFFFFFFF0, v59  }
0x18b: {  	v3 =	vor.u32 v3, v4  }
0x18c: {  	v4 =	vperm.xlane v3, v0;
	_ =	sdelay $0x1  }
0x18d: {  	v3 =	vperm.xlane v3, v2;
	v4 =	vadd.s32 v1, v4;
	_ =	sdelay $0x1  }
0x18e: {  	v3 =	vadd.s32 v1, v3;
	_ =	sdelay $0x2  }
0x18f: {  	[tilespmem:s23], [sflag:$0x1] =	stream.indirect_vreg.gather [hbm4b:s1+s3], $0x80, v4, vm0, $0xb8;
	[tilespmem:$0xD100] =	vst v63  }
0x190: {  	_ = 	snop  }
0x191: {  	[tilespmem:s24], [sflag:$0x1] =	stream.indirect_vreg.gather [hbm4b:s1+s3], $0x80, v3, vm0, $0xb8;
	[tilespmem:$0xD100] =	vst v63  }
0x192: {  	v3 =	vld [tilespmem:$0x90];
	_ =	sdelay $0x4  }
0x193: {  	v60 =	vshll.u32 v3, $0x1  }
0x194: {  	v3 =	vand.u32 $0x7, v3;
	v4 =	vand.u32 $0xFFFFFFF0, v60  }
0x195: {  	v3 =	vor.u32 v3, v4  }
0x196: {  	v4 =	vperm.xlane v3, v0;
	_ =	sdelay $0x1  }
0x197: {  	v3 =	vperm.xlane v3, v2;
	v4 =	vadd.s32 v1, v4;
	_ =	sdelay $0x1  }
0x198: {  	v3 =	vadd.s32 v1, v3;
	_ =	sdelay $0x2  }
0x199: {  	[tilespmem:s25], [sflag:$0x1] =	stream.indirect_vreg.gather [hbm4b:s1+s3], $0x80, v4, vm0, $0xb8;
	[tilespmem:$0xD100] =	vst v63  }
0x19a: {  	_ = 	snop  }
0x19b: {  	[tilespmem:s26], [sflag:$0x1] =	stream.indirect_vreg.gather [hbm4b:s1+s3], $0x80, v3, vm0, $0xb8;
	[tilespmem:$0xD100] =	vst v63  }
0x19c: {  	v3 =	vld [tilespmem:$0xA0];
	_ =	sdelay $0x4  }
0x19d: {  	v61 =	vshll.u32 v3, $0x1  }
0x19e: {  	v3 =	vand.u32 $0x7, v3;
	v4 =	vand.u32 $0xFFFFFFF0, v61  }
0x19f: {  	v3 =	vor.u32 v3, v4  }
0x1a0: {  	v4 =	vperm.xlane v3, v0;
	_ =	sdelay $0x1  }
0x1a1: {  	v3 =	vperm.xlane v3, v2;
	v4 =	vadd.s32 v1, v4;
	_ =	sdelay $0x1  }
0x1a2: {  	v3 =	vadd.s32 v1, v3;
	_ =	sdelay $0x2  }
0x1a3: {  	[tilespmem:s28], [sflag:$0x1] =	stream.indirect_vreg.gather [hbm4b:s1+s3], $0x80, v4, vm0, $0xb8;
	[tilespmem:$0xD100] =	vst v63  }
0x1a4: {  	_ = 	snop  }
0x1a5: {  	[tilespmem:s29], [sflag:$0x1] =	stream.indirect_vreg.gather [hbm4b:s1+s3], $0x80, v3, vm0, $0xb8;
	[tilespmem:$0xD100] =	vst v63  }
0x1a6: {  	v3 =	vld [tilespmem:$0xB0];
	_ =	sdelay $0x4  }
0x1a7: {  	v62 =	vshll.u32 v3, $0x1  }
0x1a8: {  	v3 =	vand.u32 $0x7, v3;
	v4 =	vand.u32 $0xFFFFFFF0, v62  }
0x1a9: {  	v3 =	vor.u32 v3, v4  }
0x1aa: {  	v4 =	vperm.xlane v3, v0;
	_ =	sdelay $0x1  }
0x1ab: {  	v3 =	vperm.xlane v3, v2;
	v4 =	vadd.s32 v1, v4;
	_ =	sdelay $0x1  }
0x1ac: {  	v3 =	vadd.s32 v1, v3;
	_ =	sdelay $0x2  }
0x1ad: {  	[tilespmem:s30], [sflag:$0x1] =	stream.indirect_vreg.gather [hbm4b:s1+s3], $0x80, v4, vm0, $0xb8;
	[tilespmem:$0xD100] =	vst v63  }
0x1ae: {  	_ = 	snop  }
0x1af: {  	[tilespmem:s31], [sflag:$0x1] =	stream.indirect_vreg.gather [hbm4b:s1+s3], $0x80, v3, vm0, $0xb8;
	[tilespmem:$0xD100] =	vst v63  }
0x1b0: {  	v3 =	vld [tilespmem:$0xC0];
	_ =	sdelay $0x4  }
0x1b1: {  	v63 =	vshll.u32 v3, $0x1  }
0x1b2: {  	v3 =	vand.u32 $0x7, v3;
	v4 =	vand.u32 $0xFFFFFFF0, v63  }
0x1b3: {  	v3 =	vor.u32 v3, v4  }
0x1b4: {  	v4 =	vperm.xlane v3, v0;
	_ =	sdelay $0x1  }
0x1b5: {  	v3 =	vperm.xlane v3, v2;
	v4 =	vadd.s32 v1, v4;
	_ =	sdelay $0x1  }
0x1b6: {  	v3 =	vadd.s32 v1, v3;
	_ =	sdelay $0x1  }
0x1b7: {  	s7 =	simm.s32 $0xC100  }
0x1b8: {  	[tilespmem:s7], [sflag:$0x1] =	stream.indirect_vreg.gather [hbm4b:s1+s3], $0x80, v4, vm0, $0xb8;
	[tilespmem:$0xD100] =	vst v63  }
0x1b9: {  	_ = 	snop  }
0x1ba: {  	[tilespmem:s6], [sflag:$0x1] =	stream.indirect_vreg.gather [hbm4b:s1+s3], $0x80, v3, vm0, $0xb8;
	[tilespmem:$0xD100] =	vst v63  }
0x1bb: {  	_ =	swait.ge [sflag:s0], $0xD000  }
0x1bc: {  	p0 =	sne.s32 s4, $0x1;
	[sflag:s0] =	ssyncset.done $0x0  }
.Ltmp0:
0x1bd: {  	s6 =	rddreg [dreg:$0x9];
	[sflag:s0] =	ssyncadd.s32 $0xFFFF3000;
	(pc) =	sbr.rel @p0 .LBB2_1-.Ltmp0, $4  }
0x1be: {  	[hbm4b:s6+s3] =	stream.linear.scatter [tilespmem:s2], [sflag:$0x2], $0xD000, $0x38;
	[tilespmem:$0xD100] =	vst v63  }
0x1bf: {  	_ =	swait.ge [sflag:s5], $0xD000  }
0x1c0: {  	[sflag:s5] =	ssyncset.done $0x0  }
0x1c1: {  	s4 =	sadd.s32 $0xFFFFFFFF, s4;
	[sflag:s5] =	ssyncadd.s32 $0xFFFF3000  }
0x1c2: {  	_ =	sfence.sel $0x180000  }
0x1c3: {  	[bflag:$0x0] =	sbarrier.arrive $0xFFFF  }
0x1c4: {  	_ =	strace $0x90000047  }
0x1c5: {  	s0 =	stileid.u32;
	[bflag:$0x2] =	sbarrier.arrive $0xFFFF  }
0x1c6: {  	p0 =	sne.s32 s0, $0x0;
	s0 =	rddreg [dreg:$0x3]  }
0x1c7: {  	s0 =	sadd.s32 @!p0 $0x100000, s0  }
0x1c8: {  	[sflag:s0] =	ssyncadd.tile.s32 @!p0 $0x1;
	_ =	shalt  }
.Lfunc_end2:
_tile_overlayer_lowered:
.L_overlay_start_2:
0x1c9: {  	(tag) =	ssettag $0x2  }
0x1ca: {  	s0 =	rddreg [dreg:$0x0];
	s2 =	stileid.u32  }
0x1cb: {  	s1 =	rddreg [dreg:$0x1];
	p0 =	sne.s32 s2, $0x0  }
0x1cc: {  	s3 =	rddreg [dreg:$0x2];
	[bflag:$0x3] =	sbarrier.arrive $0xFFFF;
	s2 =	simm.s32 @!p0 $0x1C02  }
0x1cd: {  	[timem:s3], [sflag:s2] =	dma.local @!p0 [hbm:s0], s1  }
0x1ce: {  	s0 =	simm.s32 @!p0 $0x2  }
0x1cf: {  	_ =	swait.ge @!p0 [sflag:s0], s1  }
0x1d0: {  	s1 =	ssub.s32 @!p0 $0x0, s1;
	[sflag:s0] =	ssyncset.done @!p0 $0x0  }
0x1d1: {  	[sflag:s0] =	ssyncadd.s32 @!p0 s1  }
0x1d2: {  	[bflag:$0x3] =	sbarrier.arrive $0xFFFF  }
0x1d3: {  	_ =	shalt  }

</sc_bundles>
